<compile_context>
chip_gen: v7x
topology: tpu7x:2x2x1
jax: 0.10.2.dev20260603
libtpu: 0.0.44.dev20260713+nightly
codegen_flags: <defaults>
</compile_context>

<pallas_src>
import functools

import jax
import jax.numpy as jnp
from jax import lax
from jax.experimental import pallas as pl
from jax.experimental.pallas import tpu as pltpu
from jax.experimental.pallas import tpu_sc as plsc

N = 10000
E = 320000
NG = 64
D = 128
NCLS = 10

NC = 2
NS = 16
NW = NC * NS
EPW = E // NW
CHUNK = 125
NCHUNK = EPW // CHUNK
GRP = 40
NPAD = 10240
RPT = NPAD // NS

_sc_mesh = functools.partial(
    plsc.VectorSubcoreMesh, core_axis_name="c", subcore_axis_name="s")


def _deg_body(ones_s_hbm, ones_c_hbm, dst_hbm, out_hbm, dst_v, rows_v, acc,
              sem):
    cid = lax.axis_index("c")
    sid = lax.axis_index("s")
    wid = sid * NC + cid

    pltpu.sync_copy(ones_s_hbm, acc.at[pl.ds(sid * RPT, RPT)])
    pltpu.sync_copy(ones_c_hbm, rows_v)
    plsc.subcore_barrier()

    def group(g, _):
        g0 = pl.multiple_of(g * GRP, GRP)
        pltpu.sync_copy(dst_hbm.at[wid, pl.ds(g0, GRP)], dst_v)

        def fire(j, _):
            pltpu.async_copy(rows_v, acc.at[dst_v.at[j]], sem, add=True)
            return _
        lax.fori_loop(0, GRP, fire, None, unroll=False)

        def drain(j, _):
            pltpu.make_async_copy(rows_v, acc.at[dst_v.at[j]], sem).wait()
            return _
        lax.fori_loop(0, GRP, drain, None, unroll=False)
        return _
    lax.fori_loop(0, NCHUNK // GRP, group, None, unroll=False)

    plsc.subcore_barrier()
    pltpu.sync_copy(acc.at[pl.ds(sid * RPT, RPT)],
                    out_hbm.at[cid, pl.ds(sid * RPT, RPT)])


DW = 32

_deg_kernel = pl.kernel(
    _deg_body,
    out_type=jax.ShapeDtypeStruct((NC, NPAD, DW), jnp.float32),
    mesh=_sc_mesh(),
    scratch_types=[
        pltpu.VMEM((GRP, CHUNK), jnp.int32),
        pltpu.VMEM((CHUNK, DW), jnp.float32),
        pltpu.VMEM_SHARED((NPAD, DW), jnp.float32),
        pltpu.SemaphoreType.DMA,
    ],
)


def _agg_body(table_hbm, src_hbm, dst_hbm, out_hbm, src_v, dst_v,
              rows0, rows1, acc, sem0, sem1):
    cid = lax.axis_index("c")
    sid = lax.axis_index("s")
    wid = sid * NC + cid

    pltpu.sync_copy(src_hbm.at[wid, pl.ds(0, GRP)], src_v)
    pltpu.sync_copy(dst_hbm.at[wid, pl.ds(0, GRP)], dst_v)
    pltpu.async_copy(table_hbm.at[src_v.at[0]], rows0, sem0)
    pltpu.sync_copy(table_hbm.at[pl.ds(sid * RPT, RPT)],
                    acc.at[pl.ds(sid * RPT, RPT)])
    plsc.subcore_barrier()

    def group(g, _):
        @pl.when(g > 0)
        def _():
            g0 = pl.multiple_of(g * GRP, GRP)
            pltpu.sync_copy(src_hbm.at[wid, pl.ds(g0, GRP)], src_v)
            pltpu.sync_copy(dst_hbm.at[wid, pl.ds(g0, GRP)], dst_v)
            pltpu.async_copy(table_hbm.at[src_v.at[0]], rows0, sem0)

        def pair(k, _):
            j0 = 2 * k
            pltpu.async_copy(table_hbm.at[src_v.at[j0 + 1]], rows1, sem1)
            pltpu.make_async_copy(table_hbm.at[src_v.at[j0]], rows0,
                                  sem0).wait()
            pltpu.sync_copy(rows0, acc.at[dst_v.at[j0]], add=True)

            @pl.when(k < GRP // 2 - 1)
            def _():
                pltpu.async_copy(table_hbm.at[src_v.at[j0 + 2]], rows0, sem0)

            pltpu.make_async_copy(table_hbm.at[src_v.at[j0 + 1]], rows1,
                                  sem1).wait()
            pltpu.sync_copy(rows1, acc.at[dst_v.at[j0 + 1]], add=True)
            return _
        lax.fori_loop(0, GRP // 2, pair, None, unroll=False)
        return _
    lax.fori_loop(0, NCHUNK // GRP, group, None, unroll=False)

    plsc.subcore_barrier()
    pltpu.sync_copy(acc.at[pl.ds(sid * RPT, RPT)],
                    out_hbm.at[cid, pl.ds(sid * RPT, RPT)])


_agg_kernel = pl.kernel(
    _agg_body,
    out_type=jax.ShapeDtypeStruct((NC, NPAD, D), jnp.float32),
    mesh=_sc_mesh(),
    scratch_types=[
        pltpu.VMEM((GRP, CHUNK), jnp.int32),
        pltpu.VMEM((GRP, CHUNK), jnp.int32),
        pltpu.VMEM((CHUNK, D), jnp.float32),
        pltpu.VMEM((CHUNK, D), jnp.float32),
        pltpu.VMEM_SHARED((NPAD, D), jnp.float32),
        pltpu.SemaphoreType.DMA,
        pltpu.SemaphoreType.DMA,
    ],
)


BN = 640


def _mm1_body(x_ref, w_ref, b_ref, d0_ref, d1_ref, s_ref, dinv_ref):
    i = pl.program_id(0)
    col = lax.broadcasted_iota(jnp.int32, (BN, D), 1)
    t = jnp.where(col == 0, 0.0, x_ref[...])
    h = jnp.dot(t, w_ref[...], preferred_element_type=jnp.float32) + b_ref[...]
    row = i * BN + lax.broadcasted_iota(jnp.int32, (BN, D), 0)
    h = jnp.where((col == 0) | (row >= N), 0.0, h)
    deg = d0_ref[:, 0:1] + d1_ref[:, 0:1] - 1.0
    dinv = lax.rsqrt(deg)
    s_ref[...] = h * dinv
    dinv_ref[...] = dinv


def _tc_mm1(x, W1, b1, deg0, deg1):
    return pl.pallas_call(
        _mm1_body,
        grid=(NPAD // BN,),
        in_specs=[
            pl.BlockSpec((BN, D), lambda i: (i, 0)),
            pl.BlockSpec((D, D), lambda i: (0, 0)),
            pl.BlockSpec((1, D), lambda i: (0, 0)),
            pl.BlockSpec((BN, DW), lambda i: (i, 0)),
            pl.BlockSpec((BN, DW), lambda i: (i, 0)),
        ],
        out_specs=[
            pl.BlockSpec((BN, D), lambda i: (i, 0)),
            pl.BlockSpec((BN, 1), lambda i: (i, 0)),
        ],
        out_shape=[
            jax.ShapeDtypeStruct((NPAD, D), jnp.float32),
            jax.ShapeDtypeStruct((NPAD, 1), jnp.float32),
        ],
    )(x, W1, b1, deg0, deg1)


def _mm2_body(p0_ref, p1_ref, s_ref, dinv_ref, w_ref, b_ref, out_ref):
    dinv = dinv_ref[...]
    f32 = lambda r: r[...].astype(jnp.float32)
    a = (f32(p0_ref) + f32(p1_ref) - f32(s_ref)) * dinv
    r = jnp.maximum(a, 0.0)
    h = jnp.dot(r, w_ref[...], preferred_element_type=jnp.float32) + b_ref[...]
    col = lax.broadcasted_iota(jnp.int32, (BN, D), 1)
    h = jnp.where(col == 0, 0.0, h)
    out_ref[...] = h * dinv


def _tc_mm2(p0, p1, s1, dinv, W2, b2):
    return pl.pallas_call(
        _mm2_body,
        grid=(NPAD // BN,),
        in_specs=[
            pl.BlockSpec((BN, D), lambda i: (i, 0)),
            pl.BlockSpec((BN, D), lambda i: (i, 0)),
            pl.BlockSpec((BN, D), lambda i: (i, 0)),
            pl.BlockSpec((BN, 1), lambda i: (i, 0)),
            pl.BlockSpec((D, D), lambda i: (0, 0)),
            pl.BlockSpec((1, D), lambda i: (0, 0)),
        ],
        out_specs=pl.BlockSpec((BN, D), lambda i: (i, 0)),
        out_shape=jax.ShapeDtypeStruct((NPAD, D), jnp.float32),
    )(p0, p1, s1, dinv, W2, b2)


def _pool_body(p0_ref, p1_ref, s_ref, dinv_ref, batch_ref, w_ref, b_ref,
               out_ref, pooled_acc, cnt_acc):
    i = pl.program_id(0)
    f32 = lambda r: r[...].astype(jnp.float32)
    a = (f32(p0_ref) + f32(p1_ref) - f32(s_ref)) * dinv_ref[...]
    f = jnp.maximum(a, 0.0)
    onehot = (batch_ref[0] == lax.broadcasted_iota(jnp.int32, (NG, BN), 0)
              ).astype(jnp.float32)
    part = jnp.dot(onehot, f, preferred_element_type=jnp.float32)
    cnt = jnp.sum(onehot, axis=1, keepdims=True)

    @pl.when(i == 0)
    def _():
        pooled_acc[...] = jnp.zeros_like(pooled_acc)
        cnt_acc[...] = jnp.zeros_like(cnt_acc)

    pooled_acc[...] += part
    cnt_acc[...] += cnt

    @pl.when(i == (NPAD // BN) - 1)
    def _():
        pooled = pooled_acc[...] / jnp.maximum(cnt_acc[...], 1.0)
        logits = jnp.dot(pooled, w_ref[...],
                         preferred_element_type=jnp.float32) + b_ref[...]
        m = jnp.max(logits, axis=-1, keepdims=True)
        lse = jnp.log(jnp.sum(jnp.exp(logits - m), axis=-1, keepdims=True)) + m
        out_ref[...] = logits - lse


def _tc_pool(p0, p1, s2, dinv, batch3, W4, b4):
    return pl.pallas_call(
        _pool_body,
        grid=(NPAD // BN,),
        in_specs=[
            pl.BlockSpec((BN, D), lambda i: (i, 0)),
            pl.BlockSpec((BN, D), lambda i: (i, 0)),
            pl.BlockSpec((BN, D), lambda i: (i, 0)),
            pl.BlockSpec((BN, 1), lambda i: (i, 0)),
            pl.BlockSpec((1, 1, BN), lambda i: (i, 0, 0)),
            pl.BlockSpec((D, NCLS), lambda i: (0, 0)),
            pl.BlockSpec((1, NCLS), lambda i: (0, 0)),
        ],
        out_specs=pl.BlockSpec((NG, NCLS), lambda i: (0, 0)),
        out_shape=jax.ShapeDtypeStruct((NG, NCLS), jnp.float32),
        scratch_shapes=[
            pltpu.VMEM((NG, D), jnp.float32),
            pltpu.VMEM((NG, 1), jnp.float32),
        ],
    )(p0, p1, s2, dinv, batch3, W4, b4)


def kernel(x, edge_index, batch, W1, b1, W2, b2, W4, b4):
    e3 = edge_index.reshape(2, NW, NCHUNK, CHUNK)
    src3, dst3 = e3[0], e3[1]
    batch3 = jnp.pad(batch, (0, NPAD - N), constant_values=NG
                     ).reshape(NPAD // BN, 1, BN)
    ones_s = jnp.ones((RPT, DW), jnp.float32)
    ones_c = jnp.ones((CHUNK, DW), jnp.float32)

    degp = _deg_kernel(ones_s, ones_c, dst3)
    s1, dinv = _tc_mm1(x, W1, b1.reshape(1, D), degp[0], degp[1])
    p = _agg_kernel(s1, src3, dst3)
    s2 = _tc_mm2(p[0], p[1], s1, dinv, W2, b2.reshape(1, D))
    p2 = _agg_kernel(s2, src3, dst3)
    return _tc_pool(p2[0], p2[1], s2, dinv, batch3, W4,
                    b4.reshape(1, NCLS))

# --- scband reference (transcript-rebuilt; emitter-appended) ---
"""Pipeline reference for scband-hgcn-pyg-55937654063397 (READ-ONLY COPY).

The authoritative reference and input builder live on the scoring server;
editing this copy changes nothing except your own understanding.
"""

import jax, jax.numpy as jnp
import numpy as np

C = 1.0
N = 10000
E = 320000
NG = 64
D = 128
NHID = 128
NCLS = 10

def proj_tan0(u):
    return u.at[..., 0].set(0.0)

def expmap0(u, c):
    sqrtK = 1.0 / jnp.sqrt(c)
    x = u[..., 1:]
    norm = jnp.maximum(jnp.linalg.norm(x, axis=-1, keepdims=True), 1e-7)
    theta = norm / sqrtK
    return jnp.concatenate([sqrtK * jnp.cosh(theta), sqrtK * jnp.sinh(theta) * x / norm], axis=-1)

def logmap0(x, c):
    sqrtK = 1.0 / jnp.sqrt(c)
    y = x[..., 1:]
    y_norm = jnp.maximum(jnp.linalg.norm(y, axis=-1, keepdims=True), 1e-7)
    theta = jnp.maximum(x[..., 0:1] / sqrtK, 1.0 + 1e-7)
    return jnp.concatenate([jnp.zeros_like(y_norm), sqrtK * jnp.arccosh(theta) * y / y_norm], axis=-1)

def proj_h(x, c):
    K = 1.0 / c
    y = x[..., 1:]
    x0 = jnp.sqrt(jnp.maximum(K + jnp.sum(y * y, axis=-1, keepdims=True), 1e-7))
    return jnp.concatenate([x0, y], axis=-1)

def gcn_agg(xt, src, dst, n):
    loop = jnp.arange(n, dtype=src.dtype)
    s = jnp.concatenate([src, loop])
    d = jnp.concatenate([dst, loop])
    deg = jnp.zeros((n,), xt.dtype).at[d].add(1.0)
    dinv = jnp.where(deg > 0, 1.0 / jnp.sqrt(deg), 0.0)
    w = dinv[s] * dinv[d]
    return jax.ops.segment_sum(xt[s] * w[:, None], d, num_segments=n)

def hgcn_conv(xh, src, dst, W, b, c, n):
    xt = logmap0(xh, c)
    h = proj_tan0(xt @ W + b)
    xh2 = proj_h(expmap0(h, c), c)
    agg = gcn_agg(logmap0(xh2, c), src, dst, n)
    return proj_h(expmap0(proj_tan0(agg), c), c)

def hyp_act(xh, c):
    xt = jax.nn.relu(logmap0(xh, c))
    return proj_h(expmap0(proj_tan0(xt), c), c)

def _forward(x, edge_index, batch, W1, b1, W2, b2, W4, b4):
    src = edge_index[0]
    dst = edge_index[1]
    xh = proj_h(expmap0(proj_tan0(x), C), C)
    xh = hgcn_conv(xh, src, dst, W1, b1, C, N)
    xh = hyp_act(xh, C)
    xh = hgcn_conv(xh, src, dst, W2, b2, C, N)
    xh = hyp_act(xh, C)
    xt = proj_tan0(logmap0(xh, C))
    sums = jax.ops.segment_sum(xt, batch, num_segments=NG)
    cnts = jax.ops.segment_sum(jnp.ones((N,), xt.dtype), batch, num_segments=NG)
    pooled = sums / jnp.maximum(cnts, 1.0)[:, None]
    logits = pooled @ W4 + b4
    return jax.nn.log_softmax(logits, axis=-1)

def setup_inputs(seed: int = 0):
    key = jax.random.key(seed)
    ks = jax.random.split(key, 9)
    x = jax.random.normal(ks[0], (N, D), jnp.float32)
    edge_index = jax.random.randint(ks[1], (2, E), 0, N, jnp.int32)
    batch = jnp.sort(jax.random.randint(ks[2], (N,), 0, NG, jnp.int32))
    W1 = jax.random.normal(ks[3], (D, NHID), jnp.float32) / jnp.sqrt(D)
    b1 = jnp.zeros((NHID,), jnp.float32)
    W2 = jax.random.normal(ks[4], (NHID, NHID), jnp.float32) / jnp.sqrt(NHID)
    b2 = jnp.zeros((NHID,), jnp.float32)
    W4 = jax.random.normal(ks[5], (NHID, NCLS), jnp.float32) / jnp.sqrt(NHID)
    b4 = jnp.zeros((NCLS,), jnp.float32)
    return {"x": x, "edge_index": edge_index, "batch": batch, "W1": W1, "b1": b1, "W2": W2, "b2": b2, "W4": W4, "b4": b4}

def reference(x, edge_index, batch, W1, b1, W2, b2, W4, b4):
    return _forward(x, edge_index, batch, W1, b1, W2, b2, W4, b4)

if __name__ == "__main__":
    import jax
    _d = setup_inputs()
    print(jax.jit(kernel)(*tuple(_d.values())))

</pallas_src>

<mosaic_0001>
#map = affine_map<(d0, d1) -> (0, 0)>
#map1 = affine_map<(d0, d1) -> (0, 0, 0)>
module attributes {stable_mosaic.version = 14 : i64} {
  func.func @_agg_body(%arg0: i32, %arg1: i32, %arg2: memref<10240x128xf32, #tpu.memory_space<hbm>>, %arg3: memref<32x80x125xi32, #tpu.memory_space<hbm>>, %arg4: memref<32x80x125xi32, #tpu.memory_space<hbm>>, %arg5: memref<2x10240x128xf32, #tpu.memory_space<hbm>>, %arg6: memref<40x125xi32, #tpu.memory_space<vmem>>, %arg7: memref<40x125xi32, #tpu.memory_space<vmem>>, %arg8: memref<125x128xf32, #tpu.memory_space<vmem>>, %arg9: memref<125x128xf32, #tpu.memory_space<vmem>>, %arg10: memref<10240x128xf32, #tpu.memory_space<vmem_shared>>, %arg11: memref<!tpu.dma_semaphore, #tpu.memory_space<semaphore_mem>>, %arg12: memref<!tpu.dma_semaphore, #tpu.memory_space<semaphore_mem>>) attributes {dimension_semantics = [#tpu.dimension_semantics<core_parallel>, #tpu.dimension_semantics<subcore_parallel>], iteration_bounds = array<i64: 2, 16>, scalar_prefetch = 0 : i64, scratch_operands = 7 : i64, tpu.core_type = #tpu.core_type<sc_vector_subcore>, window_params = [{transform_indices = #map}, {transform_indices = #map1}, {transform_indices = #map1}, {transform_indices = #map1}]} {
    %mul3A = arith.constant 2 : i32
    %mul3A_0 = arith.muli %arg1, %mul3A : i32
    %add3A = arith.addi %mul3A_0, %arg0 : i32
    "tpu.region"() ({
      %run_scoped3A = tpu.sem_alloc : memref<!tpu.dma_semaphore, #tpu.memory_space<semaphore_mem>>
      %dma_start3A_20 = arith.constant 0 : i32
      %dma_start3A_21 = arith.constant 0 : i32
      %dma_start3A_22 = tpu.memref_slice %arg3[%add3A, %dma_start3A_20, %dma_start3A_21] : memref<32x80x125xi32, #tpu.memory_space<hbm>> -> memref<1x40x125xi32, #tpu.memory_space<hbm>>
      %dma_start3A_23 = tpu.memref_squeeze %dma_start3A_22 : memref<1x40x125xi32, #tpu.memory_space<hbm>> -> memref<40x125xi32, #tpu.memory_space<hbm>>
      %dma_start3A_24 = arith.constant 0 : i32
      %dma_start3A_25 = arith.constant 0 : i32
      %dma_start3A_26 = tpu.memref_slice %arg3[%add3A, %dma_start3A_24, %dma_start3A_25] : memref<32x80x125xi32, #tpu.memory_space<hbm>> -> memref<1x40x125xi32, #tpu.memory_space<hbm>>
      %dma_start3A_27 = tpu.memref_squeeze %dma_start3A_26 : memref<1x40x125xi32, #tpu.memory_space<hbm>> -> memref<40x125xi32, #tpu.memory_space<hbm>>
      tpu.enqueue_dma source(%dma_start3A_27 : memref<40x125xi32, #tpu.memory_space<hbm>>) target(%arg6 : memref<40x125xi32, #tpu.memory_space<vmem>>) target_semaphore(%run_scoped3A : memref<!tpu.dma_semaphore, #tpu.memory_space<semaphore_mem>>)
      %dma_wait3A = arith.constant 0 : i32
      %dma_wait3A_28 = arith.constant 0 : i32
      %dma_wait3A_29 = tpu.memref_slice %arg3[%add3A, %dma_wait3A, %dma_wait3A_28] : memref<32x80x125xi32, #tpu.memory_space<hbm>> -> memref<1x40x125xi32, #tpu.memory_space<hbm>>
      %dma_wait3A_30 = tpu.memref_squeeze %dma_wait3A_29 : memref<1x40x125xi32, #tpu.memory_space<hbm>> -> memref<40x125xi32, #tpu.memory_space<hbm>>
      %dma_wait3A_31 = arith.constant 0 : i32
      %dma_wait3A_32 = arith.constant 0 : i32
      %dma_wait3A_33 = tpu.memref_slice %arg3[%add3A, %dma_wait3A_31, %dma_wait3A_32] : memref<32x80x125xi32, #tpu.memory_space<hbm>> -> memref<1x40x125xi32, #tpu.memory_space<hbm>>
      %dma_wait3A_34 = tpu.memref_squeeze %dma_wait3A_33 : memref<1x40x125xi32, #tpu.memory_space<hbm>> -> memref<40x125xi32, #tpu.memory_space<hbm>>
      tpu.wait_dma2 semaphore(%run_scoped3A : memref<!tpu.dma_semaphore, #tpu.memory_space<semaphore_mem>>) src(%dma_wait3A_34 : memref<40x125xi32, #tpu.memory_space<hbm>>) dst(%arg6 : memref<40x125xi32, #tpu.memory_space<vmem>>)
      tpu.yield
    }) : () -> ()
    "tpu.region"() ({
      %run_scoped3A = tpu.sem_alloc : memref<!tpu.dma_semaphore, #tpu.memory_space<semaphore_mem>>
      %dma_start3A_20 = arith.constant 0 : i32
      %dma_start3A_21 = arith.constant 0 : i32
      %dma_start3A_22 = tpu.memref_slice %arg4[%add3A, %dma_start3A_20, %dma_start3A_21] : memref<32x80x125xi32, #tpu.memory_space<hbm>> -> memref<1x40x125xi32, #tpu.memory_space<hbm>>
      %dma_start3A_23 = tpu.memref_squeeze %dma_start3A_22 : memref<1x40x125xi32, #tpu.memory_space<hbm>> -> memref<40x125xi32, #tpu.memory_space<hbm>>
      %dma_start3A_24 = arith.constant 0 : i32
      %dma_start3A_25 = arith.constant 0 : i32
      %dma_start3A_26 = tpu.memref_slice %arg4[%add3A, %dma_start3A_24, %dma_start3A_25] : memref<32x80x125xi32, #tpu.memory_space<hbm>> -> memref<1x40x125xi32, #tpu.memory_space<hbm>>
      %dma_start3A_27 = tpu.memref_squeeze %dma_start3A_26 : memref<1x40x125xi32, #tpu.memory_space<hbm>> -> memref<40x125xi32, #tpu.memory_space<hbm>>
      tpu.enqueue_dma source(%dma_start3A_27 : memref<40x125xi32, #tpu.memory_space<hbm>>) target(%arg7 : memref<40x125xi32, #tpu.memory_space<vmem>>) target_semaphore(%run_scoped3A : memref<!tpu.dma_semaphore, #tpu.memory_space<semaphore_mem>>)
      %dma_wait3A = arith.constant 0 : i32
      %dma_wait3A_28 = arith.constant 0 : i32
      %dma_wait3A_29 = tpu.memref_slice %arg4[%add3A, %dma_wait3A, %dma_wait3A_28] : memref<32x80x125xi32, #tpu.memory_space<hbm>> -> memref<1x40x125xi32, #tpu.memory_space<hbm>>
      %dma_wait3A_30 = tpu.memref_squeeze %dma_wait3A_29 : memref<1x40x125xi32, #tpu.memory_space<hbm>> -> memref<40x125xi32, #tpu.memory_space<hbm>>
      %dma_wait3A_31 = arith.constant 0 : i32
      %dma_wait3A_32 = arith.constant 0 : i32
      %dma_wait3A_33 = tpu.memref_slice %arg4[%add3A, %dma_wait3A_31, %dma_wait3A_32] : memref<32x80x125xi32, #tpu.memory_space<hbm>> -> memref<1x40x125xi32, #tpu.memory_space<hbm>>
      %dma_wait3A_34 = tpu.memref_squeeze %dma_wait3A_33 : memref<1x40x125xi32, #tpu.memory_space<hbm>> -> memref<40x125xi32, #tpu.memory_space<hbm>>
      tpu.wait_dma2 semaphore(%run_scoped3A : memref<!tpu.dma_semaphore, #tpu.memory_space<semaphore_mem>>) src(%dma_wait3A_34 : memref<40x125xi32, #tpu.memory_space<hbm>>) dst(%arg7 : memref<40x125xi32, #tpu.memory_space<vmem>>)
      tpu.yield
    }) : () -> ()
    %dma_start3A = arith.constant 0 : i32
    %dma_start3A_1 = arith.constant 0 : i32
    %dma_start3A_2 = tpu.memref_slice %arg6[%dma_start3A, %dma_start3A_1] : memref<40x125xi32, #tpu.memory_space<vmem>> -> memref<1x125xi32, #tpu.memory_space<vmem>>
    %dma_start3A_3 = tpu.memref_squeeze %dma_start3A_2 : memref<1x125xi32, #tpu.memory_space<vmem>> -> memref<125xi32, #tpu.memory_space<vmem>>
    %dma_start3A_4 = arith.constant 0 : i32
    %dma_start3A_5 = arith.constant 0 : i32
    %dma_start3A_6 = tpu.memref_slice %arg2[%dma_start3A_4, %dma_start3A_5] : memref<10240x128xf32, #tpu.memory_space<hbm>> -> memref<10240x128xf32, #tpu.memory_space<hbm>>
    tpu.enqueue_indirect_dma source(%dma_start3A_6 : memref<10240x128xf32, #tpu.memory_space<hbm>>) target(%arg8 : memref<125x128xf32, #tpu.memory_space<vmem>>) offsets(%dma_start3A_3 : memref<125xi32, #tpu.memory_space<vmem>>) semaphore(%arg11 : memref<!tpu.dma_semaphore, #tpu.memory_space<semaphore_mem>>)
    %mul3A_7 = arith.constant 640 : i32
    %mul3A_8 = arith.muli %arg1, %mul3A_7 : i32
    %mul3A_9 = arith.constant 640 : i32
    %mul3A_10 = arith.muli %arg1, %mul3A_9 : i32
    "tpu.region"() ({
      %run_scoped3A = tpu.sem_alloc : memref<!tpu.dma_semaphore, #tpu.memory_space<semaphore_mem>>
      %dma_start3A_20 = arith.constant 0 : i32
      %dma_start3A_21 = tpu.memref_slice %arg10[%mul3A_10, %dma_start3A_20] : memref<10240x128xf32, #tpu.memory_space<vmem_shared>> -> memref<640x128xf32, #tpu.memory_space<vmem_shared>>
      %dma_start3A_22 = arith.constant 0 : i32
      %dma_start3A_23 = tpu.memref_slice %arg2[%mul3A_8, %dma_start3A_22] : memref<10240x128xf32, #tpu.memory_space<hbm>> -> memref<640x128xf32, #tpu.memory_space<hbm>>
      tpu.enqueue_dma source(%dma_start3A_23 : memref<640x128xf32, #tpu.memory_space<hbm>>) target(%dma_start3A_21 : memref<640x128xf32, #tpu.memory_space<vmem_shared>>) target_semaphore(%run_scoped3A : memref<!tpu.dma_semaphore, #tpu.memory_space<semaphore_mem>>)
      %dma_wait3A = arith.constant 0 : i32
      %dma_wait3A_24 = tpu.memref_slice %arg10[%mul3A_10, %dma_wait3A] : memref<10240x128xf32, #tpu.memory_space<vmem_shared>> -> memref<640x128xf32, #tpu.memory_space<vmem_shared>>
      %dma_wait3A_25 = arith.constant 0 : i32
      %dma_wait3A_26 = tpu.memref_slice %arg2[%mul3A_8, %dma_wait3A_25] : memref<10240x128xf32, #tpu.memory_space<hbm>> -> memref<640x128xf32, #tpu.memory_space<hbm>>
      tpu.wait_dma2 semaphore(%run_scoped3A : memref<!tpu.dma_semaphore, #tpu.memory_space<semaphore_mem>>) src(%dma_wait3A_26 : memref<640x128xf32, #tpu.memory_space<hbm>>) dst(%dma_wait3A_24 : memref<640x128xf32, #tpu.memory_space<vmem_shared>>)
      tpu.yield
    }) : () -> ()
    %barrier3A = arith.constant 0 : index
    tpu.barrier barrier_id(%barrier3A)
    %scan3A = arith.constant 0 : i32
    %scan3A_11 = arith.constant 2 : i32
    %scan3A_12 = arith.addi %scan3A, %scan3A_11 : i32
    %scan3A_13 = arith.constant 1 : i32
    scf.for %scan3A_20 = %scan3A to %scan3A_12 step %scan3A_13  : i32 {
      %gt3A = arith.constant 0 : i32
      %gt3A_21 = arith.cmpi sgt, %scan3A_20, %gt3A : i32
      %convert_element_type3A = arith.extui %gt3A_21 : i1 to i32
      %cond3A = arith.constant 0 : i32
      %cond3A_22 = arith.cmpi ne, %convert_element_type3A, %cond3A : i32
      scf.if %cond3A_22 {
        %mul3A_28 = arith.constant 40 : i32
        %mul3A_29 = arith.muli %scan3A_20, %mul3A_28 : i32
        %multiple_of3A = tpu.assume_multiple %mul3A_29, 40 : i32
        "tpu.region"() ({
          %run_scoped3A = tpu.sem_alloc : memref<!tpu.dma_semaphore, #tpu.memory_space<semaphore_mem>>
          %dma_start3A_37 = arith.constant 0 : i32
          %dma_start3A_38 = tpu.memref_slice %arg3[%add3A, %multiple_of3A, %dma_start3A_37] : memref<32x80x125xi32, #tpu.memory_space<hbm>> -> memref<1x40x125xi32, #tpu.memory_space<hbm>>
          %dma_start3A_39 = tpu.memref_squeeze %dma_start3A_38 : memref<1x40x125xi32, #tpu.memory_space<hbm>> -> memref<40x125xi32, #tpu.memory_space<hbm>>
          %dma_start3A_40 = arith.constant 0 : i32
          %dma_start3A_41 = tpu.memref_slice %arg3[%add3A, %multiple_of3A, %dma_start3A_40] : memref<32x80x125xi32, #tpu.memory_space<hbm>> -> memref<1x40x125xi32, #tpu.memory_space<hbm>>
          %dma_start3A_42 = tpu.memref_squeeze %dma_start3A_41 : memref<1x40x125xi32, #tpu.memory_space<hbm>> -> memref<40x125xi32, #tpu.memory_space<hbm>>
          tpu.enqueue_dma source(%dma_start3A_42 : memref<40x125xi32, #tpu.memory_space<hbm>>) target(%arg6 : memref<40x125xi32, #tpu.memory_space<vmem>>) target_semaphore(%run_scoped3A : memref<!tpu.dma_semaphore, #tpu.memory_space<semaphore_mem>>)
          %dma_wait3A = arith.constant 0 : i32
          %dma_wait3A_43 = tpu.memref_slice %arg3[%add3A, %multiple_of3A, %dma_wait3A] : memref<32x80x125xi32, #tpu.memory_space<hbm>> -> memref<1x40x125xi32, #tpu.memory_space<hbm>>
          %dma_wait3A_44 = tpu.memref_squeeze %dma_wait3A_43 : memref<1x40x125xi32, #tpu.memory_space<hbm>> -> memref<40x125xi32, #tpu.memory_space<hbm>>
          %dma_wait3A_45 = arith.constant 0 : i32
          %dma_wait3A_46 = tpu.memref_slice %arg3[%add3A, %multiple_of3A, %dma_wait3A_45] : memref<32x80x125xi32, #tpu.memory_space<hbm>> -> memref<1x40x125xi32, #tpu.memory_space<hbm>>
          %dma_wait3A_47 = tpu.memref_squeeze %dma_wait3A_46 : memref<1x40x125xi32, #tpu.memory_space<hbm>> -> memref<40x125xi32, #tpu.memory_space<hbm>>
          tpu.wait_dma2 semaphore(%run_scoped3A : memref<!tpu.dma_semaphore, #tpu.memory_space<semaphore_mem>>) src(%dma_wait3A_47 : memref<40x125xi32, #tpu.memory_space<hbm>>) dst(%arg6 : memref<40x125xi32, #tpu.memory_space<vmem>>)
          tpu.yield
        }) : () -> ()
        "tpu.region"() ({
          %run_scoped3A = tpu.sem_alloc : memref<!tpu.dma_semaphore, #tpu.memory_space<semaphore_mem>>
          %dma_start3A_37 = arith.constant 0 : i32
          %dma_start3A_38 = tpu.memref_slice %arg4[%add3A, %multiple_of3A, %dma_start3A_37] : memref<32x80x125xi32, #tpu.memory_space<hbm>> -> memref<1x40x125xi32, #tpu.memory_space<hbm>>
          %dma_start3A_39 = tpu.memref_squeeze %dma_start3A_38 : memref<1x40x125xi32, #tpu.memory_space<hbm>> -> memref<40x125xi32, #tpu.memory_space<hbm>>
          %dma_start3A_40 = arith.constant 0 : i32
          %dma_start3A_41 = tpu.memref_slice %arg4[%add3A, %multiple_of3A, %dma_start3A_40] : memref<32x80x125xi32, #tpu.memory_space<hbm>> -> memref<1x40x125xi32, #tpu.memory_space<hbm>>
          %dma_start3A_42 = tpu.memref_squeeze %dma_start3A_41 : memref<1x40x125xi32, #tpu.memory_space<hbm>> -> memref<40x125xi32, #tpu.memory_space<hbm>>
          tpu.enqueue_dma source(%dma_start3A_42 : memref<40x125xi32, #tpu.memory_space<hbm>>) target(%arg7 : memref<40x125xi32, #tpu.memory_space<vmem>>) target_semaphore(%run_scoped3A : memref<!tpu.dma_semaphore, #tpu.memory_space<semaphore_mem>>)
          %dma_wait3A = arith.constant 0 : i32
          %dma_wait3A_43 = tpu.memref_slice %arg4[%add3A, %multiple_of3A, %dma_wait3A] : memref<32x80x125xi32, #tpu.memory_space<hbm>> -> memref<1x40x125xi32, #tpu.memory_space<hbm>>
          %dma_wait3A_44 = tpu.memref_squeeze %dma_wait3A_43 : memref<1x40x125xi32, #tpu.memory_space<hbm>> -> memref<40x125xi32, #tpu.memory_space<hbm>>
          %dma_wait3A_45 = arith.constant 0 : i32
          %dma_wait3A_46 = tpu.memref_slice %arg4[%add3A, %multiple_of3A, %dma_wait3A_45] : memref<32x80x125xi32, #tpu.memory_space<hbm>> -> memref<1x40x125xi32, #tpu.memory_space<hbm>>
          %dma_wait3A_47 = tpu.memref_squeeze %dma_wait3A_46 : memref<1x40x125xi32, #tpu.memory_space<hbm>> -> memref<40x125xi32, #tpu.memory_space<hbm>>
          tpu.wait_dma2 semaphore(%run_scoped3A : memref<!tpu.dma_semaphore, #tpu.memory_space<semaphore_mem>>) src(%dma_wait3A_47 : memref<40x125xi32, #tpu.memory_space<hbm>>) dst(%arg7 : memref<40x125xi32, #tpu.memory_space<vmem>>)
          tpu.yield
        }) : () -> ()
        %dma_start3A_30 = arith.constant 0 : i32
        %dma_start3A_31 = arith.constant 0 : i32
        %dma_start3A_32 = tpu.memref_slice %arg6[%dma_start3A_30, %dma_start3A_31] : memref<40x125xi32, #tpu.memory_space<vmem>> -> memref<1x125xi32, #tpu.memory_space<vmem>>
        %dma_start3A_33 = tpu.memref_squeeze %dma_start3A_32 : memref<1x125xi32, #tpu.memory_space<vmem>> -> memref<125xi32, #tpu.memory_space<vmem>>
        %dma_start3A_34 = arith.constant 0 : i32
        %dma_start3A_35 = arith.constant 0 : i32
        %dma_start3A_36 = tpu.memref_slice %arg2[%dma_start3A_34, %dma_start3A_35] : memref<10240x128xf32, #tpu.memory_space<hbm>> -> memref<10240x128xf32, #tpu.memory_space<hbm>>
        tpu.enqueue_indirect_dma source(%dma_start3A_36 : memref<10240x128xf32, #tpu.memory_space<hbm>>) target(%arg8 : memref<125x128xf32, #tpu.memory_space<vmem>>) offsets(%dma_start3A_33 : memref<125xi32, #tpu.memory_space<vmem>>) semaphore(%arg11 : memref<!tpu.dma_semaphore, #tpu.memory_space<semaphore_mem>>)
      } else {
      }
      %scan3A_23 = arith.constant 0 : i32
      %scan3A_24 = arith.constant 20 : i32
      %scan3A_25 = arith.addi %scan3A_23, %scan3A_24 : i32
      %scan3A_26 = arith.constant 1 : i32
      scf.for %scan3A_28 = %scan3A_23 to %scan3A_25 step %scan3A_26  : i32 {
        %mul3A_29 = arith.constant 2 : i32
        %mul3A_30 = arith.muli %mul3A_29, %scan3A_28 : i32
        %add3A_31 = arith.constant 1 : i32
        %add3A_32 = arith.addi %mul3A_30, %add3A_31 : i32
        %dma_start3A_33 = arith.constant 0 : i32
        %dma_start3A_34 = tpu.memref_slice %arg6[%add3A_32, %dma_start3A_33] : memref<40x125xi32, #tpu.memory_space<vmem>> -> memref<1x125xi32, #tpu.memory_space<vmem>>
        %dma_start3A_35 = tpu.memref_squeeze %dma_start3A_34 : memref<1x125xi32, #tpu.memory_space<vmem>> -> memref<125xi32, #tpu.memory_space<vmem>>
        %dma_start3A_36 = arith.constant 0 : i32
        %dma_start3A_37 = arith.constant 0 : i32
        %dma_start3A_38 = tpu.memref_slice %arg2[%dma_start3A_36, %dma_start3A_37] : memref<10240x128xf32, #tpu.memory_space<hbm>> -> memref<10240x128xf32, #tpu.memory_space<hbm>>
        tpu.enqueue_indirect_dma source(%dma_start3A_38 : memref<10240x128xf32, #tpu.memory_space<hbm>>) target(%arg9 : memref<125x128xf32, #tpu.memory_space<vmem>>) offsets(%dma_start3A_35 : memref<125xi32, #tpu.memory_space<vmem>>) semaphore(%arg12 : memref<!tpu.dma_semaphore, #tpu.memory_space<semaphore_mem>>)
        %dma_wait3A = arith.constant 0 : i32
        %dma_wait3A_39 = tpu.memref_slice %arg6[%mul3A_30, %dma_wait3A] : memref<40x125xi32, #tpu.memory_space<vmem>> -> memref<1x125xi32, #tpu.memory_space<vmem>>
        %dma_wait3A_40 = tpu.memref_squeeze %dma_wait3A_39 : memref<1x125xi32, #tpu.memory_space<vmem>> -> memref<125xi32, #tpu.memory_space<vmem>>
        %dma_wait3A_41 = arith.constant 0 : i32
        %dma_wait3A_42 = arith.constant 0 : i32
        %dma_wait3A_43 = tpu.memref_slice %arg2[%dma_wait3A_41, %dma_wait3A_42] : memref<10240x128xf32, #tpu.memory_space<hbm>> -> memref<10240x128xf32, #tpu.memory_space<hbm>>
        tpu.wait_indirect_dma semaphore(%arg11 : memref<!tpu.dma_semaphore, #tpu.memory_space<semaphore_mem>>) src(%dma_wait3A_43 : memref<10240x128xf32, #tpu.memory_space<hbm>>) dst(%arg8 : memref<125x128xf32, #tpu.memory_space<vmem>>)
        "tpu.region"() ({
          %run_scoped3A = tpu.sem_alloc : memref<!tpu.dma_semaphore, #tpu.memory_space<semaphore_mem>>
          %dma_start3A_58 = arith.constant 0 : i32
          %dma_start3A_59 = tpu.memref_slice %arg7[%mul3A_30, %dma_start3A_58] : memref<40x125xi32, #tpu.memory_space<vmem>> -> memref<1x125xi32, #tpu.memory_space<vmem>>
          %dma_start3A_60 = tpu.memref_squeeze %dma_start3A_59 : memref<1x125xi32, #tpu.memory_space<vmem>> -> memref<125xi32, #tpu.memory_space<vmem>>
          %dma_start3A_61 = arith.constant 0 : i32
          %dma_start3A_62 = arith.constant 0 : i32
          %dma_start3A_63 = tpu.memref_slice %arg10[%dma_start3A_61, %dma_start3A_62] : memref<10240x128xf32, #tpu.memory_space<vmem_shared>> -> memref<10240x128xf32, #tpu.memory_space<vmem_shared>>
          tpu.enqueue_indirect_dma source(%arg8 : memref<125x128xf32, #tpu.memory_space<vmem>>) target(%dma_start3A_63 : memref<10240x128xf32, #tpu.memory_space<vmem_shared>>) offsets(%dma_start3A_60 : memref<125xi32, #tpu.memory_space<vmem>>) semaphore(%run_scoped3A : memref<!tpu.dma_semaphore, #tpu.memory_space<semaphore_mem>>) {add = true}
          %dma_wait3A_64 = arith.constant 0 : i32
          %dma_wait3A_65 = tpu.memref_slice %arg7[%mul3A_30, %dma_wait3A_64] : memref<40x125xi32, #tpu.memory_space<vmem>> -> memref<1x125xi32, #tpu.memory_space<vmem>>
          %dma_wait3A_66 = tpu.memref_squeeze %dma_wait3A_65 : memref<1x125xi32, #tpu.memory_space<vmem>> -> memref<125xi32, #tpu.memory_space<vmem>>
          %dma_wait3A_67 = arith.constant 0 : i32
          %dma_wait3A_68 = arith.constant 0 : i32
          %dma_wait3A_69 = tpu.memref_slice %arg10[%dma_wait3A_67, %dma_wait3A_68] : memref<10240x128xf32, #tpu.memory_space<vmem_shared>> -> memref<10240x128xf32, #tpu.memory_space<vmem_shared>>
          tpu.wait_indirect_dma semaphore(%run_scoped3A : memref<!tpu.dma_semaphore, #tpu.memory_space<semaphore_mem>>) src(%arg8 : memref<125x128xf32, #tpu.memory_space<vmem>>) dst(%dma_wait3A_69 : memref<10240x128xf32, #tpu.memory_space<vmem_shared>>)
          tpu.yield
        }) : () -> ()
        %lt3A = arith.constant 19 : i32
        %lt3A_44 = arith.cmpi slt, %scan3A_28, %lt3A : i32
        %convert_element_type3A_45 = arith.extui %lt3A_44 : i1 to i32
        %cond3A_46 = arith.constant 0 : i32
        %cond3A_47 = arith.cmpi ne, %convert_element_type3A_45, %cond3A_46 : i32
        scf.if %cond3A_47 {
          %add3A_58 = arith.constant 2 : i32
          %add3A_59 = arith.addi %mul3A_30, %add3A_58 : i32
          %dma_start3A_60 = arith.constant 0 : i32
          %dma_start3A_61 = tpu.memref_slice %arg6[%add3A_59, %dma_start3A_60] : memref<40x125xi32, #tpu.memory_space<vmem>> -> memref<1x125xi32, #tpu.memory_space<vmem>>
          %dma_start3A_62 = tpu.memref_squeeze %dma_start3A_61 : memref<1x125xi32, #tpu.memory_space<vmem>> -> memref<125xi32, #tpu.memory_space<vmem>>
          %dma_start3A_63 = arith.constant 0 : i32
          %dma_start3A_64 = arith.constant 0 : i32
          %dma_start3A_65 = tpu.memref_slice %arg2[%dma_start3A_63, %dma_start3A_64] : memref<10240x128xf32, #tpu.memory_space<hbm>> -> memref<10240x128xf32, #tpu.memory_space<hbm>>
          tpu.enqueue_indirect_dma source(%dma_start3A_65 : memref<10240x128xf32, #tpu.memory_space<hbm>>) target(%arg8 : memref<125x128xf32, #tpu.memory_space<vmem>>) offsets(%dma_start3A_62 : memref<125xi32, #tpu.memory_space<vmem>>) semaphore(%arg11 : memref<!tpu.dma_semaphore, #tpu.memory_space<semaphore_mem>>)
        } else {
        }
        %add3A_48 = arith.constant 1 : i32
        %add3A_49 = arith.addi %mul3A_30, %add3A_48 : i32
        %dma_wait3A_50 = arith.constant 0 : i32
        %dma_wait3A_51 = tpu.memref_slice %arg6[%add3A_49, %dma_wait3A_50] : memref<40x125xi32, #tpu.memory_space<vmem>> -> memref<1x125xi32, #tpu.memory_space<vmem>>
        %dma_wait3A_52 = tpu.memref_squeeze %dma_wait3A_51 : memref<1x125xi32, #tpu.memory_space<vmem>> -> memref<125xi32, #tpu.memory_space<vmem>>
        %dma_wait3A_53 = arith.constant 0 : i32
        %dma_wait3A_54 = arith.constant 0 : i32
        %dma_wait3A_55 = tpu.memref_slice %arg2[%dma_wait3A_53, %dma_wait3A_54] : memref<10240x128xf32, #tpu.memory_space<hbm>> -> memref<10240x128xf32, #tpu.memory_space<hbm>>
        tpu.wait_indirect_dma semaphore(%arg12 : memref<!tpu.dma_semaphore, #tpu.memory_space<semaphore_mem>>) src(%dma_wait3A_55 : memref<10240x128xf32, #tpu.memory_space<hbm>>) dst(%arg9 : memref<125x128xf32, #tpu.memory_space<vmem>>)
        %add3A_56 = arith.constant 1 : i32
        %add3A_57 = arith.addi %mul3A_30, %add3A_56 : i32
        "tpu.region"() ({
          %run_scoped3A = tpu.sem_alloc : memref<!tpu.dma_semaphore, #tpu.memory_space<semaphore_mem>>
          %dma_start3A_58 = arith.constant 0 : i32
          %dma_start3A_59 = tpu.memref_slice %arg7[%add3A_57, %dma_start3A_58] : memref<40x125xi32, #tpu.memory_space<vmem>> -> memref<1x125xi32, #tpu.memory_space<vmem>>
          %dma_start3A_60 = tpu.memref_squeeze %dma_start3A_59 : memref<1x125xi32, #tpu.memory_space<vmem>> -> memref<125xi32, #tpu.memory_space<vmem>>
          %dma_start3A_61 = arith.constant 0 : i32
          %dma_start3A_62 = arith.constant 0 : i32
          %dma_start3A_63 = tpu.memref_slice %arg10[%dma_start3A_61, %dma_start3A_62] : memref<10240x128xf32, #tpu.memory_space<vmem_shared>> -> memref<10240x128xf32, #tpu.memory_space<vmem_shared>>
          tpu.enqueue_indirect_dma source(%arg9 : memref<125x128xf32, #tpu.memory_space<vmem>>) target(%dma_start3A_63 : memref<10240x128xf32, #tpu.memory_space<vmem_shared>>) offsets(%dma_start3A_60 : memref<125xi32, #tpu.memory_space<vmem>>) semaphore(%run_scoped3A : memref<!tpu.dma_semaphore, #tpu.memory_space<semaphore_mem>>) {add = true}
          %dma_wait3A_64 = arith.constant 0 : i32
          %dma_wait3A_65 = tpu.memref_slice %arg7[%add3A_57, %dma_wait3A_64] : memref<40x125xi32, #tpu.memory_space<vmem>> -> memref<1x125xi32, #tpu.memory_space<vmem>>
          %dma_wait3A_66 = tpu.memref_squeeze %dma_wait3A_65 : memref<1x125xi32, #tpu.memory_space<vmem>> -> memref<125xi32, #tpu.memory_space<vmem>>
          %dma_wait3A_67 = arith.constant 0 : i32
          %dma_wait3A_68 = arith.constant 0 : i32
          %dma_wait3A_69 = tpu.memref_slice %arg10[%dma_wait3A_67, %dma_wait3A_68] : memref<10240x128xf32, #tpu.memory_space<vmem_shared>> -> memref<10240x128xf32, #tpu.memory_space<vmem_shared>>
          tpu.wait_indirect_dma semaphore(%run_scoped3A : memref<!tpu.dma_semaphore, #tpu.memory_space<semaphore_mem>>) src(%arg9 : memref<125x128xf32, #tpu.memory_space<vmem>>) dst(%dma_wait3A_69 : memref<10240x128xf32, #tpu.memory_space<vmem_shared>>)
          tpu.yield
        }) : () -> ()
      }
      %scan3A_27 = arith.constant 20 : i32
    }
    %scan3A_14 = arith.constant 2 : i32
    %barrier3A_15 = arith.constant 0 : index
    tpu.barrier barrier_id(%barrier3A_15)
    %mul3A_16 = arith.constant 640 : i32
    %mul3A_17 = arith.muli %arg1, %mul3A_16 : i32
    %mul3A_18 = arith.constant 640 : i32
    %mul3A_19 = arith.muli %arg1, %mul3A_18 : i32
    "tpu.region"() ({
      %run_scoped3A = tpu.sem_alloc : memref<!tpu.dma_semaphore, #tpu.memory_space<semaphore_mem>>
      %dma_start3A_20 = arith.constant 0 : i32
      %dma_start3A_21 = tpu.memref_slice %arg5[%arg0, %mul3A_19, %dma_start3A_20] : memref<2x10240x128xf32, #tpu.memory_space<hbm>> -> memref<1x640x128xf32, #tpu.memory_space<hbm>>
      %dma_start3A_22 = tpu.memref_squeeze %dma_start3A_21 : memref<1x640x128xf32, #tpu.memory_space<hbm>> -> memref<640x128xf32, #tpu.memory_space<hbm>>
      %dma_start3A_23 = arith.constant 0 : i32
      %dma_start3A_24 = tpu.memref_slice %arg10[%mul3A_17, %dma_start3A_23] : memref<10240x128xf32, #tpu.memory_space<vmem_shared>> -> memref<640x128xf32, #tpu.memory_space<vmem_shared>>
      tpu.enqueue_dma source(%dma_start3A_24 : memref<640x128xf32, #tpu.memory_space<vmem_shared>>) target(%dma_start3A_22 : memref<640x128xf32, #tpu.memory_space<hbm>>) target_semaphore(%run_scoped3A : memref<!tpu.dma_semaphore, #tpu.memory_space<semaphore_mem>>)
      %dma_wait3A = arith.constant 0 : i32
      %dma_wait3A_25 = tpu.memref_slice %arg5[%arg0, %mul3A_19, %dma_wait3A] : memref<2x10240x128xf32, #tpu.memory_space<hbm>> -> memref<1x640x128xf32, #tpu.memory_space<hbm>>
      %dma_wait3A_26 = tpu.memref_squeeze %dma_wait3A_25 : memref<1x640x128xf32, #tpu.memory_space<hbm>> -> memref<640x128xf32, #tpu.memory_space<hbm>>
      %dma_wait3A_27 = arith.constant 0 : i32
      %dma_wait3A_28 = tpu.memref_slice %arg10[%mul3A_17, %dma_wait3A_27] : memref<10240x128xf32, #tpu.memory_space<vmem_shared>> -> memref<640x128xf32, #tpu.memory_space<vmem_shared>>
      tpu.wait_dma2 semaphore(%run_scoped3A : memref<!tpu.dma_semaphore, #tpu.memory_space<semaphore_mem>>) src(%dma_wait3A_28 : memref<640x128xf32, #tpu.memory_space<vmem_shared>>) dst(%dma_wait3A_26 : memref<640x128xf32, #tpu.memory_space<hbm>>)
      tpu.yield
    }) : () -> ()
    return
  }
}

#map = affine_map<(d0, d1) -> (0, 0)>
#map1 = affine_map<(d0, d1) -> (0, 0, 0)>
module attributes {stable_mosaic.version = 14 : i64} {
  func.func @_deg_body(%arg0: i32, %arg1: i32, %arg2: memref<640x32xf32, #tpu.memory_space<hbm>>, %arg3: memref<125x32xf32, #tpu.memory_space<hbm>>, %arg4: memref<32x80x125xi32, #tpu.memory_space<hbm>>, %arg5: memref<2x10240x32xf32, #tpu.memory_space<hbm>>, %arg6: memref<40x125xi32, #tpu.memory_space<vmem>>, %arg7: memref<125x32xf32, #tpu.memory_space<vmem>>, %arg8: memref<10240x32xf32, #tpu.memory_space<vmem_shared>>, %arg9: memref<!tpu.dma_semaphore, #tpu.memory_space<semaphore_mem>>) attributes {dimension_semantics = [#tpu.dimension_semantics<core_parallel>, #tpu.dimension_semantics<subcore_parallel>], iteration_bounds = array<i64: 2, 16>, scalar_prefetch = 0 : i64, scratch_operands = 4 : i64, tpu.core_type = #tpu.core_type<sc_vector_subcore>, window_params = [{transform_indices = #map}, {transform_indices = #map}, {transform_indices = #map1}, {transform_indices = #map1}]} {
    %mul3A = arith.constant 2 : i32
    %mul3A_0 = arith.muli %arg1, %mul3A : i32
    %add3A = arith.addi %mul3A_0, %arg0 : i32
    %mul3A_1 = arith.constant 640 : i32
    %mul3A_2 = arith.muli %arg1, %mul3A_1 : i32
    "tpu.region"() ({
      %run_scoped3A = tpu.sem_alloc : memref<!tpu.dma_semaphore, #tpu.memory_space<semaphore_mem>>
      %dma_start3A = arith.constant 0 : i32
      %dma_start3A_12 = tpu.memref_slice %arg8[%mul3A_2, %dma_start3A] : memref<10240x32xf32, #tpu.memory_space<vmem_shared>> -> memref<640x32xf32, #tpu.memory_space<vmem_shared>>
      tpu.enqueue_dma source(%arg2 : memref<640x32xf32, #tpu.memory_space<hbm>>) target(%dma_start3A_12 : memref<640x32xf32, #tpu.memory_space<vmem_shared>>) target_semaphore(%run_scoped3A : memref<!tpu.dma_semaphore, #tpu.memory_space<semaphore_mem>>)
      %dma_wait3A = arith.constant 0 : i32
      %dma_wait3A_13 = tpu.memref_slice %arg8[%mul3A_2, %dma_wait3A] : memref<10240x32xf32, #tpu.memory_space<vmem_shared>> -> memref<640x32xf32, #tpu.memory_space<vmem_shared>>
      tpu.wait_dma2 semaphore(%run_scoped3A : memref<!tpu.dma_semaphore, #tpu.memory_space<semaphore_mem>>) src(%arg2 : memref<640x32xf32, #tpu.memory_space<hbm>>) dst(%dma_wait3A_13 : memref<640x32xf32, #tpu.memory_space<vmem_shared>>)
      tpu.yield
    }) : () -> ()
    "tpu.region"() ({
      %run_scoped3A = tpu.sem_alloc : memref<!tpu.dma_semaphore, #tpu.memory_space<semaphore_mem>>
      tpu.enqueue_dma source(%arg3 : memref<125x32xf32, #tpu.memory_space<hbm>>) target(%arg7 : memref<125x32xf32, #tpu.memory_space<vmem>>) target_semaphore(%run_scoped3A : memref<!tpu.dma_semaphore, #tpu.memory_space<semaphore_mem>>)
      tpu.wait_dma2 semaphore(%run_scoped3A : memref<!tpu.dma_semaphore, #tpu.memory_space<semaphore_mem>>) src(%arg3 : memref<125x32xf32, #tpu.memory_space<hbm>>) dst(%arg7 : memref<125x32xf32, #tpu.memory_space<vmem>>)
      tpu.yield
    }) : () -> ()
    %barrier3A = arith.constant 0 : index
    tpu.barrier barrier_id(%barrier3A)
    %scan3A = arith.constant 0 : i32
    %scan3A_3 = arith.constant 2 : i32
    %scan3A_4 = arith.addi %scan3A, %scan3A_3 : i32
    %scan3A_5 = arith.constant 1 : i32
    scf.for %scan3A_12 = %scan3A to %scan3A_4 step %scan3A_5  : i32 {
      %mul3A_13 = arith.constant 40 : i32
      %mul3A_14 = arith.muli %scan3A_12, %mul3A_13 : i32
      %multiple_of3A = tpu.assume_multiple %mul3A_14, 40 : i32
      "tpu.region"() ({
        %run_scoped3A = tpu.sem_alloc : memref<!tpu.dma_semaphore, #tpu.memory_space<semaphore_mem>>
        %dma_start3A = arith.constant 0 : i32
        %dma_start3A_25 = tpu.memref_slice %arg4[%add3A, %multiple_of3A, %dma_start3A] : memref<32x80x125xi32, #tpu.memory_space<hbm>> -> memref<1x40x125xi32, #tpu.memory_space<hbm>>
        %dma_start3A_26 = tpu.memref_squeeze %dma_start3A_25 : memref<1x40x125xi32, #tpu.memory_space<hbm>> -> memref<40x125xi32, #tpu.memory_space<hbm>>
        %dma_start3A_27 = arith.constant 0 : i32
        %dma_start3A_28 = tpu.memref_slice %arg4[%add3A, %multiple_of3A, %dma_start3A_27] : memref<32x80x125xi32, #tpu.memory_space<hbm>> -> memref<1x40x125xi32, #tpu.memory_space<hbm>>
        %dma_start3A_29 = tpu.memref_squeeze %dma_start3A_28 : memref<1x40x125xi32, #tpu.memory_space<hbm>> -> memref<40x125xi32, #tpu.memory_space<hbm>>
        tpu.enqueue_dma source(%dma_start3A_29 : memref<40x125xi32, #tpu.memory_space<hbm>>) target(%arg6 : memref<40x125xi32, #tpu.memory_space<vmem>>) target_semaphore(%run_scoped3A : memref<!tpu.dma_semaphore, #tpu.memory_space<semaphore_mem>>)
        %dma_wait3A = arith.constant 0 : i32
        %dma_wait3A_30 = tpu.memref_slice %arg4[%add3A, %multiple_of3A, %dma_wait3A] : memref<32x80x125xi32, #tpu.memory_space<hbm>> -> memref<1x40x125xi32, #tpu.memory_space<hbm>>
        %dma_wait3A_31 = tpu.memref_squeeze %dma_wait3A_30 : memref<1x40x125xi32, #tpu.memory_space<hbm>> -> memref<40x125xi32, #tpu.memory_space<hbm>>
        %dma_wait3A_32 = arith.constant 0 : i32
        %dma_wait3A_33 = tpu.memref_slice %arg4[%add3A, %multiple_of3A, %dma_wait3A_32] : memref<32x80x125xi32, #tpu.memory_space<hbm>> -> memref<1x40x125xi32, #tpu.memory_space<hbm>>
        %dma_wait3A_34 = tpu.memref_squeeze %dma_wait3A_33 : memref<1x40x125xi32, #tpu.memory_space<hbm>> -> memref<40x125xi32, #tpu.memory_space<hbm>>
        tpu.wait_dma2 semaphore(%run_scoped3A : memref<!tpu.dma_semaphore, #tpu.memory_space<semaphore_mem>>) src(%dma_wait3A_34 : memref<40x125xi32, #tpu.memory_space<hbm>>) dst(%arg6 : memref<40x125xi32, #tpu.memory_space<vmem>>)
        tpu.yield
      }) : () -> ()
      %scan3A_15 = arith.constant 0 : i32
      %scan3A_16 = arith.constant 40 : i32
      %scan3A_17 = arith.addi %scan3A_15, %scan3A_16 : i32
      %scan3A_18 = arith.constant 1 : i32
      scf.for %scan3A_25 = %scan3A_15 to %scan3A_17 step %scan3A_18  : i32 {
        %dma_start3A = arith.constant 0 : i32
        %dma_start3A_26 = tpu.memref_slice %arg6[%scan3A_25, %dma_start3A] : memref<40x125xi32, #tpu.memory_space<vmem>> -> memref<1x125xi32, #tpu.memory_space<vmem>>
        %dma_start3A_27 = tpu.memref_squeeze %dma_start3A_26 : memref<1x125xi32, #tpu.memory_space<vmem>> -> memref<125xi32, #tpu.memory_space<vmem>>
        %dma_start3A_28 = arith.constant 0 : i32
        %dma_start3A_29 = arith.constant 0 : i32
        %dma_start3A_30 = tpu.memref_slice %arg8[%dma_start3A_28, %dma_start3A_29] : memref<10240x32xf32, #tpu.memory_space<vmem_shared>> -> memref<10240x32xf32, #tpu.memory_space<vmem_shared>>
        tpu.enqueue_indirect_dma source(%arg7 : memref<125x32xf32, #tpu.memory_space<vmem>>) target(%dma_start3A_30 : memref<10240x32xf32, #tpu.memory_space<vmem_shared>>) offsets(%dma_start3A_27 : memref<125xi32, #tpu.memory_space<vmem>>) semaphore(%arg9 : memref<!tpu.dma_semaphore, #tpu.memory_space<semaphore_mem>>) {add = true}
      }
      %scan3A_19 = arith.constant 40 : i32
      %scan3A_20 = arith.constant 0 : i32
      %scan3A_21 = arith.constant 40 : i32
      %scan3A_22 = arith.addi %scan3A_20, %scan3A_21 : i32
      %scan3A_23 = arith.constant 1 : i32
      scf.for %scan3A_25 = %scan3A_20 to %scan3A_22 step %scan3A_23  : i32 {
        %dma_wait3A = arith.constant 0 : i32
        %dma_wait3A_26 = tpu.memref_slice %arg6[%scan3A_25, %dma_wait3A] : memref<40x125xi32, #tpu.memory_space<vmem>> -> memref<1x125xi32, #tpu.memory_space<vmem>>
        %dma_wait3A_27 = tpu.memref_squeeze %dma_wait3A_26 : memref<1x125xi32, #tpu.memory_space<vmem>> -> memref<125xi32, #tpu.memory_space<vmem>>
        %dma_wait3A_28 = arith.constant 0 : i32
        %dma_wait3A_29 = arith.constant 0 : i32
        %dma_wait3A_30 = tpu.memref_slice %arg8[%dma_wait3A_28, %dma_wait3A_29] : memref<10240x32xf32, #tpu.memory_space<vmem_shared>> -> memref<10240x32xf32, #tpu.memory_space<vmem_shared>>
        tpu.wait_indirect_dma semaphore(%arg9 : memref<!tpu.dma_semaphore, #tpu.memory_space<semaphore_mem>>) src(%arg7 : memref<125x32xf32, #tpu.memory_space<vmem>>) dst(%dma_wait3A_30 : memref<10240x32xf32, #tpu.memory_space<vmem_shared>>)
      }
      %scan3A_24 = arith.constant 40 : i32
    }
    %scan3A_6 = arith.constant 2 : i32
    %barrier3A_7 = arith.constant 0 : index
    tpu.barrier barrier_id(%barrier3A_7)
    %mul3A_8 = arith.constant 640 : i32
    %mul3A_9 = arith.muli %arg1, %mul3A_8 : i32
    %mul3A_10 = arith.constant 640 : i32
    %mul3A_11 = arith.muli %arg1, %mul3A_10 : i32
    "tpu.region"() ({
      %run_scoped3A = tpu.sem_alloc : memref<!tpu.dma_semaphore, #tpu.memory_space<semaphore_mem>>
      %dma_start3A = arith.constant 0 : i32
      %dma_start3A_12 = tpu.memref_slice %arg5[%arg0, %mul3A_11, %dma_start3A] : memref<2x10240x32xf32, #tpu.memory_space<hbm>> -> memref<1x640x32xf32, #tpu.memory_space<hbm>>
      %dma_start3A_13 = tpu.memref_squeeze %dma_start3A_12 : memref<1x640x32xf32, #tpu.memory_space<hbm>> -> memref<640x32xf32, #tpu.memory_space<hbm>>
      %dma_start3A_14 = arith.constant 0 : i32
      %dma_start3A_15 = tpu.memref_slice %arg8[%mul3A_9, %dma_start3A_14] : memref<10240x32xf32, #tpu.memory_space<vmem_shared>> -> memref<640x32xf32, #tpu.memory_space<vmem_shared>>
      tpu.enqueue_dma source(%dma_start3A_15 : memref<640x32xf32, #tpu.memory_space<vmem_shared>>) target(%dma_start3A_13 : memref<640x32xf32, #tpu.memory_space<hbm>>) target_semaphore(%run_scoped3A : memref<!tpu.dma_semaphore, #tpu.memory_space<semaphore_mem>>)
      %dma_wait3A = arith.constant 0 : i32
      %dma_wait3A_16 = tpu.memref_slice %arg5[%arg0, %mul3A_11, %dma_wait3A] : memref<2x10240x32xf32, #tpu.memory_space<hbm>> -> memref<1x640x32xf32, #tpu.memory_space<hbm>>
      %dma_wait3A_17 = tpu.memref_squeeze %dma_wait3A_16 : memref<1x640x32xf32, #tpu.memory_space<hbm>> -> memref<640x32xf32, #tpu.memory_space<hbm>>
      %dma_wait3A_18 = arith.constant 0 : i32
      %dma_wait3A_19 = tpu.memref_slice %arg8[%mul3A_9, %dma_wait3A_18] : memref<10240x32xf32, #tpu.memory_space<vmem_shared>> -> memref<640x32xf32, #tpu.memory_space<vmem_shared>>
      tpu.wait_dma2 semaphore(%run_scoped3A : memref<!tpu.dma_semaphore, #tpu.memory_space<semaphore_mem>>) src(%dma_wait3A_19 : memref<640x32xf32, #tpu.memory_space<vmem_shared>>) dst(%dma_wait3A_17 : memref<640x32xf32, #tpu.memory_space<hbm>>)
      tpu.yield
    }) : () -> ()
    return
  }
}

#map = affine_map<(d0, d1) -> (0, 0)>
#map1 = affine_map<(d0, d1) -> (0, 0, 0)>
module attributes {stable_mosaic.version = 14 : i64} {
  func.func @_agg_body(%arg0: i32, %arg1: i32, %arg2: memref<10240x128xf32, #tpu.memory_space<hbm>>, %arg3: memref<32x80x125xi32, #tpu.memory_space<hbm>>, %arg4: memref<32x80x125xi32, #tpu.memory_space<hbm>>, %arg5: memref<2x10240x128xf32, #tpu.memory_space<hbm>>, %arg6: memref<40x125xi32, #tpu.memory_space<vmem>>, %arg7: memref<40x125xi32, #tpu.memory_space<vmem>>, %arg8: memref<125x128xf32, #tpu.memory_space<vmem>>, %arg9: memref<125x128xf32, #tpu.memory_space<vmem>>, %arg10: memref<10240x128xf32, #tpu.memory_space<vmem_shared>>, %arg11: memref<!tpu.dma_semaphore, #tpu.memory_space<semaphore_mem>>, %arg12: memref<!tpu.dma_semaphore, #tpu.memory_space<semaphore_mem>>) attributes {dimension_semantics = [#tpu.dimension_semantics<core_parallel>, #tpu.dimension_semantics<subcore_parallel>], iteration_bounds = array<i64: 2, 16>, scalar_prefetch = 0 : i64, scratch_operands = 7 : i64, tpu.core_type = #tpu.core_type<sc_vector_subcore>, window_params = [{transform_indices = #map}, {transform_indices = #map1}, {transform_indices = #map1}, {transform_indices = #map1}]} {
    %mul3A = arith.constant 2 : i32
    %mul3A_0 = arith.muli %arg1, %mul3A : i32
    %add3A = arith.addi %mul3A_0, %arg0 : i32
    "tpu.region"() ({
      %run_scoped3A = tpu.sem_alloc : memref<!tpu.dma_semaphore, #tpu.memory_space<semaphore_mem>>
      %dma_start3A_20 = arith.constant 0 : i32
      %dma_start3A_21 = arith.constant 0 : i32
      %dma_start3A_22 = tpu.memref_slice %arg3[%add3A, %dma_start3A_20, %dma_start3A_21] : memref<32x80x125xi32, #tpu.memory_space<hbm>> -> memref<1x40x125xi32, #tpu.memory_space<hbm>>
      %dma_start3A_23 = tpu.memref_squeeze %dma_start3A_22 : memref<1x40x125xi32, #tpu.memory_space<hbm>> -> memref<40x125xi32, #tpu.memory_space<hbm>>
      %dma_start3A_24 = arith.constant 0 : i32
      %dma_start3A_25 = arith.constant 0 : i32
      %dma_start3A_26 = tpu.memref_slice %arg3[%add3A, %dma_start3A_24, %dma_start3A_25] : memref<32x80x125xi32, #tpu.memory_space<hbm>> -> memref<1x40x125xi32, #tpu.memory_space<hbm>>
      %dma_start3A_27 = tpu.memref_squeeze %dma_start3A_26 : memref<1x40x125xi32, #tpu.memory_space<hbm>> -> memref<40x125xi32, #tpu.memory_space<hbm>>
      tpu.enqueue_dma source(%dma_start3A_27 : memref<40x125xi32, #tpu.memory_space<hbm>>) target(%arg6 : memref<40x125xi32, #tpu.memory_space<vmem>>) target_semaphore(%run_scoped3A : memref<!tpu.dma_semaphore, #tpu.memory_space<semaphore_mem>>)
      %dma_wait3A = arith.constant 0 : i32
      %dma_wait3A_28 = arith.constant 0 : i32
      %dma_wait3A_29 = tpu.memref_slice %arg3[%add3A, %dma_wait3A, %dma_wait3A_28] : memref<32x80x125xi32, #tpu.memory_space<hbm>> -> memref<1x40x125xi32, #tpu.memory_space<hbm>>
      %dma_wait3A_30 = tpu.memref_squeeze %dma_wait3A_29 : memref<1x40x125xi32, #tpu.memory_space<hbm>> -> memref<40x125xi32, #tpu.memory_space<hbm>>
      %dma_wait3A_31 = arith.constant 0 : i32
      %dma_wait3A_32 = arith.constant 0 : i32
      %dma_wait3A_33 = tpu.memref_slice %arg3[%add3A, %dma_wait3A_31, %dma_wait3A_32] : memref<32x80x125xi32, #tpu.memory_space<hbm>> -> memref<1x40x125xi32, #tpu.memory_space<hbm>>
      %dma_wait3A_34 = tpu.memref_squeeze %dma_wait3A_33 : memref<1x40x125xi32, #tpu.memory_space<hbm>> -> memref<40x125xi32, #tpu.memory_space<hbm>>
      tpu.wait_dma2 semaphore(%run_scoped3A : memref<!tpu.dma_semaphore, #tpu.memory_space<semaphore_mem>>) src(%dma_wait3A_34 : memref<40x125xi32, #tpu.memory_space<hbm>>) dst(%arg6 : memref<40x125xi32, #tpu.memory_space<vmem>>)
      tpu.yield
    }) : () -> ()
    "tpu.region"() ({
      %run_scoped3A = tpu.sem_alloc : memref<!tpu.dma_semaphore, #tpu.memory_space<semaphore_mem>>
      %dma_start3A_20 = arith.constant 0 : i32
      %dma_start3A_21 = arith.constant 0 : i32
      %dma_start3A_22 = tpu.memref_slice %arg4[%add3A, %dma_start3A_20, %dma_start3A_21] : memref<32x80x125xi32, #tpu.memory_space<hbm>> -> memref<1x40x125xi32, #tpu.memory_space<hbm>>
      %dma_start3A_23 = tpu.memref_squeeze %dma_start3A_22 : memref<1x40x125xi32, #tpu.memory_space<hbm>> -> memref<40x125xi32, #tpu.memory_space<hbm>>
      %dma_start3A_24 = arith.constant 0 : i32
      %dma_start3A_25 = arith.constant 0 : i32
      %dma_start3A_26 = tpu.memref_slice %arg4[%add3A, %dma_start3A_24, %dma_start3A_25] : memref<32x80x125xi32, #tpu.memory_space<hbm>> -> memref<1x40x125xi32, #tpu.memory_space<hbm>>
      %dma_start3A_27 = tpu.memref_squeeze %dma_start3A_26 : memref<1x40x125xi32, #tpu.memory_space<hbm>> -> memref<40x125xi32, #tpu.memory_space<hbm>>
      tpu.enqueue_dma source(%dma_start3A_27 : memref<40x125xi32, #tpu.memory_space<hbm>>) target(%arg7 : memref<40x125xi32, #tpu.memory_space<vmem>>) target_semaphore(%run_scoped3A : memref<!tpu.dma_semaphore, #tpu.memory_space<semaphore_mem>>)
      %dma_wait3A = arith.constant 0 : i32
      %dma_wait3A_28 = arith.constant 0 : i32
      %dma_wait3A_29 = tpu.memref_slice %arg4[%add3A, %dma_wait3A, %dma_wait3A_28] : memref<32x80x125xi32, #tpu.memory_space<hbm>> -> memref<1x40x125xi32, #tpu.memory_space<hbm>>
      %dma_wait3A_30 = tpu.memref_squeeze %dma_wait3A_29 : memref<1x40x125xi32, #tpu.memory_space<hbm>> -> memref<40x125xi32, #tpu.memory_space<hbm>>
      %dma_wait3A_31 = arith.constant 0 : i32
      %dma_wait3A_32 = arith.constant 0 : i32
      %dma_wait3A_33 = tpu.memref_slice %arg4[%add3A, %dma_wait3A_31, %dma_wait3A_32] : memref<32x80x125xi32, #tpu.memory_space<hbm>> -> memref<1x40x125xi32, #tpu.memory_space<hbm>>
      %dma_wait3A_34 = tpu.memref_squeeze %dma_wait3A_33 : memref<1x40x125xi32, #tpu.memory_space<hbm>> -> memref<40x125xi32, #tpu.memory_space<hbm>>
      tpu.wait_dma2 semaphore(%run_scoped3A : memref<!tpu.dma_semaphore, #tpu.memory_space<semaphore_mem>>) src(%dma_wait3A_34 : memref<40x125xi32, #tpu.memory_space<hbm>>) dst(%arg7 : memref<40x125xi32, #tpu.memory_space<vmem>>)
      tpu.yield
    }) : () -> ()
    %dma_start3A = arith.constant 0 : i32
    %dma_start3A_1 = arith.constant 0 : i32
    %dma_start3A_2 = tpu.memref_slice %arg6[%dma_start3A, %dma_start3A_1] : memref<40x125xi32, #tpu.memory_space<vmem>> -> memref<1x125xi32, #tpu.memory_space<vmem>>
    %dma_start3A_3 = tpu.memref_squeeze %dma_start3A_2 : memref<1x125xi32, #tpu.memory_space<vmem>> -> memref<125xi32, #tpu.memory_space<vmem>>
    %dma_start3A_4 = arith.constant 0 : i32
    %dma_start3A_5 = arith.constant 0 : i32
    %dma_start3A_6 = tpu.memref_slice %arg2[%dma_start3A_4, %dma_start3A_5] : memref<10240x128xf32, #tpu.memory_space<hbm>> -> memref<10240x128xf32, #tpu.memory_space<hbm>>
    tpu.enqueue_indirect_dma source(%dma_start3A_6 : memref<10240x128xf32, #tpu.memory_space<hbm>>) target(%arg8 : memref<125x128xf32, #tpu.memory_space<vmem>>) offsets(%dma_start3A_3 : memref<125xi32, #tpu.memory_space<vmem>>) semaphore(%arg11 : memref<!tpu.dma_semaphore, #tpu.memory_space<semaphore_mem>>)
    %mul3A_7 = arith.constant 640 : i32
    %mul3A_8 = arith.muli %arg1, %mul3A_7 : i32
    %mul3A_9 = arith.constant 640 : i32
    %mul3A_10 = arith.muli %arg1, %mul3A_9 : i32
    "tpu.region"() ({
      %run_scoped3A = tpu.sem_alloc : memref<!tpu.dma_semaphore, #tpu.memory_space<semaphore_mem>>
      %dma_start3A_20 = arith.constant 0 : i32
      %dma_start3A_21 = tpu.memref_slice %arg10[%mul3A_10, %dma_start3A_20] : memref<10240x128xf32, #tpu.memory_space<vmem_shared>> -> memref<640x128xf32, #tpu.memory_space<vmem_shared>>
      %dma_start3A_22 = arith.constant 0 : i32
      %dma_start3A_23 = tpu.memref_slice %arg2[%mul3A_8, %dma_start3A_22] : memref<10240x128xf32, #tpu.memory_space<hbm>> -> memref<640x128xf32, #tpu.memory_space<hbm>>
      tpu.enqueue_dma source(%dma_start3A_23 : memref<640x128xf32, #tpu.memory_space<hbm>>) target(%dma_start3A_21 : memref<640x128xf32, #tpu.memory_space<vmem_shared>>) target_semaphore(%run_scoped3A : memref<!tpu.dma_semaphore, #tpu.memory_space<semaphore_mem>>)
      %dma_wait3A = arith.constant 0 : i32
      %dma_wait3A_24 = tpu.memref_slice %arg10[%mul3A_10, %dma_wait3A] : memref<10240x128xf32, #tpu.memory_space<vmem_shared>> -> memref<640x128xf32, #tpu.memory_space<vmem_shared>>
      %dma_wait3A_25 = arith.constant 0 : i32
      %dma_wait3A_26 = tpu.memref_slice %arg2[%mul3A_8, %dma_wait3A_25] : memref<10240x128xf32, #tpu.memory_space<hbm>> -> memref<640x128xf32, #tpu.memory_space<hbm>>
      tpu.wait_dma2 semaphore(%run_scoped3A : memref<!tpu.dma_semaphore, #tpu.memory_space<semaphore_mem>>) src(%dma_wait3A_26 : memref<640x128xf32, #tpu.memory_space<hbm>>) dst(%dma_wait3A_24 : memref<640x128xf32, #tpu.memory_space<vmem_shared>>)
      tpu.yield
    }) : () -> ()
    %barrier3A = arith.constant 0 : index
    tpu.barrier barrier_id(%barrier3A)
    %scan3A = arith.constant 0 : i32
    %scan3A_11 = arith.constant 2 : i32
    %scan3A_12 = arith.addi %scan3A, %scan3A_11 : i32
    %scan3A_13 = arith.constant 1 : i32
    scf.for %scan3A_20 = %scan3A to %scan3A_12 step %scan3A_13  : i32 {
      %gt3A = arith.constant 0 : i32
      %gt3A_21 = arith.cmpi sgt, %scan3A_20, %gt3A : i32
      %convert_element_type3A = arith.extui %gt3A_21 : i1 to i32
      %cond3A = arith.constant 0 : i32
      %cond3A_22 = arith.cmpi ne, %convert_element_type3A, %cond3A : i32
      scf.if %cond3A_22 {
        %mul3A_28 = arith.constant 40 : i32
        %mul3A_29 = arith.muli %scan3A_20, %mul3A_28 : i32
        %multiple_of3A = tpu.assume_multiple %mul3A_29, 40 : i32
        "tpu.region"() ({
          %run_scoped3A = tpu.sem_alloc : memref<!tpu.dma_semaphore, #tpu.memory_space<semaphore_mem>>
          %dma_start3A_37 = arith.constant 0 : i32
          %dma_start3A_38 = tpu.memref_slice %arg3[%add3A, %multiple_of3A, %dma_start3A_37] : memref<32x80x125xi32, #tpu.memory_space<hbm>> -> memref<1x40x125xi32, #tpu.memory_space<hbm>>
          %dma_start3A_39 = tpu.memref_squeeze %dma_start3A_38 : memref<1x40x125xi32, #tpu.memory_space<hbm>> -> memref<40x125xi32, #tpu.memory_space<hbm>>
          %dma_start3A_40 = arith.constant 0 : i32
          %dma_start3A_41 = tpu.memref_slice %arg3[%add3A, %multiple_of3A, %dma_start3A_40] : memref<32x80x125xi32, #tpu.memory_space<hbm>> -> memref<1x40x125xi32, #tpu.memory_space<hbm>>
          %dma_start3A_42 = tpu.memref_squeeze %dma_start3A_41 : memref<1x40x125xi32, #tpu.memory_space<hbm>> -> memref<40x125xi32, #tpu.memory_space<hbm>>
          tpu.enqueue_dma source(%dma_start3A_42 : memref<40x125xi32, #tpu.memory_space<hbm>>) target(%arg6 : memref<40x125xi32, #tpu.memory_space<vmem>>) target_semaphore(%run_scoped3A : memref<!tpu.dma_semaphore, #tpu.memory_space<semaphore_mem>>)
          %dma_wait3A = arith.constant 0 : i32
          %dma_wait3A_43 = tpu.memref_slice %arg3[%add3A, %multiple_of3A, %dma_wait3A] : memref<32x80x125xi32, #tpu.memory_space<hbm>> -> memref<1x40x125xi32, #tpu.memory_space<hbm>>
          %dma_wait3A_44 = tpu.memref_squeeze %dma_wait3A_43 : memref<1x40x125xi32, #tpu.memory_space<hbm>> -> memref<40x125xi32, #tpu.memory_space<hbm>>
          %dma_wait3A_45 = arith.constant 0 : i32
          %dma_wait3A_46 = tpu.memref_slice %arg3[%add3A, %multiple_of3A, %dma_wait3A_45] : memref<32x80x125xi32, #tpu.memory_space<hbm>> -> memref<1x40x125xi32, #tpu.memory_space<hbm>>
          %dma_wait3A_47 = tpu.memref_squeeze %dma_wait3A_46 : memref<1x40x125xi32, #tpu.memory_space<hbm>> -> memref<40x125xi32, #tpu.memory_space<hbm>>
          tpu.wait_dma2 semaphore(%run_scoped3A : memref<!tpu.dma_semaphore, #tpu.memory_space<semaphore_mem>>) src(%dma_wait3A_47 : memref<40x125xi32, #tpu.memory_space<hbm>>) dst(%arg6 : memref<40x125xi32, #tpu.memory_space<vmem>>)
          tpu.yield
        }) : () -> ()
        "tpu.region"() ({
          %run_scoped3A = tpu.sem_alloc : memref<!tpu.dma_semaphore, #tpu.memory_space<semaphore_mem>>
          %dma_start3A_37 = arith.constant 0 : i32
          %dma_start3A_38 = tpu.memref_slice %arg4[%add3A, %multiple_of3A, %dma_start3A_37] : memref<32x80x125xi32, #tpu.memory_space<hbm>> -> memref<1x40x125xi32, #tpu.memory_space<hbm>>
          %dma_start3A_39 = tpu.memref_squeeze %dma_start3A_38 : memref<1x40x125xi32, #tpu.memory_space<hbm>> -> memref<40x125xi32, #tpu.memory_space<hbm>>
          %dma_start3A_40 = arith.constant 0 : i32
          %dma_start3A_41 = tpu.memref_slice %arg4[%add3A, %multiple_of3A, %dma_start3A_40] : memref<32x80x125xi32, #tpu.memory_space<hbm>> -> memref<1x40x125xi32, #tpu.memory_space<hbm>>
          %dma_start3A_42 = tpu.memref_squeeze %dma_start3A_41 : memref<1x40x125xi32, #tpu.memory_space<hbm>> -> memref<40x125xi32, #tpu.memory_space<hbm>>
          tpu.enqueue_dma source(%dma_start3A_42 : memref<40x125xi32, #tpu.memory_space<hbm>>) target(%arg7 : memref<40x125xi32, #tpu.memory_space<vmem>>) target_semaphore(%run_scoped3A : memref<!tpu.dma_semaphore, #tpu.memory_space<semaphore_mem>>)
          %dma_wait3A = arith.constant 0 : i32
          %dma_wait3A_43 = tpu.memref_slice %arg4[%add3A, %multiple_of3A, %dma_wait3A] : memref<32x80x125xi32, #tpu.memory_space<hbm>> -> memref<1x40x125xi32, #tpu.memory_space<hbm>>
          %dma_wait3A_44 = tpu.memref_squeeze %dma_wait3A_43 : memref<1x40x125xi32, #tpu.memory_space<hbm>> -> memref<40x125xi32, #tpu.memory_space<hbm>>
          %dma_wait3A_45 = arith.constant 0 : i32
          %dma_wait3A_46 = tpu.memref_slice %arg4[%add3A, %multiple_of3A, %dma_wait3A_45] : memref<32x80x125xi32, #tpu.memory_space<hbm>> -> memref<1x40x125xi32, #tpu.memory_space<hbm>>
          %dma_wait3A_47 = tpu.memref_squeeze %dma_wait3A_46 : memref<1x40x125xi32, #tpu.memory_space<hbm>> -> memref<40x125xi32, #tpu.memory_space<hbm>>
          tpu.wait_dma2 semaphore(%run_scoped3A : memref<!tpu.dma_semaphore, #tpu.memory_space<semaphore_mem>>) src(%dma_wait3A_47 : memref<40x125xi32, #tpu.memory_space<hbm>>) dst(%arg7 : memref<40x125xi32, #tpu.memory_space<vmem>>)
          tpu.yield
        }) : () -> ()
        %dma_start3A_30 = arith.constant 0 : i32
        %dma_start3A_31 = arith.constant 0 : i32
        %dma_start3A_32 = tpu.memref_slice %arg6[%dma_start3A_30, %dma_start3A_31] : memref<40x125xi32, #tpu.memory_space<vmem>> -> memref<1x125xi32, #tpu.memory_space<vmem>>
        %dma_start3A_33 = tpu.memref_squeeze %dma_start3A_32 : memref<1x125xi32, #tpu.memory_space<vmem>> -> memref<125xi32, #tpu.memory_space<vmem>>
        %dma_start3A_34 = arith.constant 0 : i32
        %dma_start3A_35 = arith.constant 0 : i32
        %dma_start3A_36 = tpu.memref_slice %arg2[%dma_start3A_34, %dma_start3A_35] : memref<10240x128xf32, #tpu.memory_space<hbm>> -> memref<10240x128xf32, #tpu.memory_space<hbm>>
        tpu.enqueue_indirect_dma source(%dma_start3A_36 : memref<10240x128xf32, #tpu.memory_space<hbm>>) target(%arg8 : memref<125x128xf32, #tpu.memory_space<vmem>>) offsets(%dma_start3A_33 : memref<125xi32, #tpu.memory_space<vmem>>) semaphore(%arg11 : memref<!tpu.dma_semaphore, #tpu.memory_space<semaphore_mem>>)
      } else {
      }
      %scan3A_23 = arith.constant 0 : i32
      %scan3A_24 = arith.constant 20 : i32
      %scan3A_25 = arith.addi %scan3A_23, %scan3A_24 : i32
      %scan3A_26 = arith.constant 1 : i32
      scf.for %scan3A_28 = %scan3A_23 to %scan3A_25 step %scan3A_26  : i32 {
        %mul3A_29 = arith.constant 2 : i32
        %mul3A_30 = arith.muli %mul3A_29, %scan3A_28 : i32
        %add3A_31 = arith.constant 1 : i32
        %add3A_32 = arith.addi %mul3A_30, %add3A_31 : i32
        %dma_start3A_33 = arith.constant 0 : i32
        %dma_start3A_34 = tpu.memref_slice %arg6[%add3A_32, %dma_start3A_33] : memref<40x125xi32, #tpu.memory_space<vmem>> -> memref<1x125xi32, #tpu.memory_space<vmem>>
        %dma_start3A_35 = tpu.memref_squeeze %dma_start3A_34 : memref<1x125xi32, #tpu.memory_space<vmem>> -> memref<125xi32, #tpu.memory_space<vmem>>
        %dma_start3A_36 = arith.constant 0 : i32
        %dma_start3A_37 = arith.constant 0 : i32
        %dma_start3A_38 = tpu.memref_slice %arg2[%dma_start3A_36, %dma_start3A_37] : memref<10240x128xf32, #tpu.memory_space<hbm>> -> memref<10240x128xf32, #tpu.memory_space<hbm>>
        tpu.enqueue_indirect_dma source(%dma_start3A_38 : memref<10240x128xf32, #tpu.memory_space<hbm>>) target(%arg9 : memref<125x128xf32, #tpu.memory_space<vmem>>) offsets(%dma_start3A_35 : memref<125xi32, #tpu.memory_space<vmem>>) semaphore(%arg12 : memref<!tpu.dma_semaphore, #tpu.memory_space<semaphore_mem>>)
        %dma_wait3A = arith.constant 0 : i32
        %dma_wait3A_39 = tpu.memref_slice %arg6[%mul3A_30, %dma_wait3A] : memref<40x125xi32, #tpu.memory_space<vmem>> -> memref<1x125xi32, #tpu.memory_space<vmem>>
        %dma_wait3A_40 = tpu.memref_squeeze %dma_wait3A_39 : memref<1x125xi32, #tpu.memory_space<vmem>> -> memref<125xi32, #tpu.memory_space<vmem>>
        %dma_wait3A_41 = arith.constant 0 : i32
        %dma_wait3A_42 = arith.constant 0 : i32
        %dma_wait3A_43 = tpu.memref_slice %arg2[%dma_wait3A_41, %dma_wait3A_42] : memref<10240x128xf32, #tpu.memory_space<hbm>> -> memref<10240x128xf32, #tpu.memory_space<hbm>>
        tpu.wait_indirect_dma semaphore(%arg11 : memref<!tpu.dma_semaphore, #tpu.memory_space<semaphore_mem>>) src(%dma_wait3A_43 : memref<10240x128xf32, #tpu.memory_space<hbm>>) dst(%arg8 : memref<125x128xf32, #tpu.memory_space<vmem>>)
        "tpu.region"() ({
          %run_scoped3A = tpu.sem_alloc : memref<!tpu.dma_semaphore, #tpu.memory_space<semaphore_mem>>
          %dma_start3A_58 = arith.constant 0 : i32
          %dma_start3A_59 = tpu.memref_slice %arg7[%mul3A_30, %dma_start3A_58] : memref<40x125xi32, #tpu.memory_space<vmem>> -> memref<1x125xi32, #tpu.memory_space<vmem>>
          %dma_start3A_60 = tpu.memref_squeeze %dma_start3A_59 : memref<1x125xi32, #tpu.memory_space<vmem>> -> memref<125xi32, #tpu.memory_space<vmem>>
          %dma_start3A_61 = arith.constant 0 : i32
          %dma_start3A_62 = arith.constant 0 : i32
          %dma_start3A_63 = tpu.memref_slice %arg10[%dma_start3A_61, %dma_start3A_62] : memref<10240x128xf32, #tpu.memory_space<vmem_shared>> -> memref<10240x128xf32, #tpu.memory_space<vmem_shared>>
          tpu.enqueue_indirect_dma source(%arg8 : memref<125x128xf32, #tpu.memory_space<vmem>>) target(%dma_start3A_63 : memref<10240x128xf32, #tpu.memory_space<vmem_shared>>) offsets(%dma_start3A_60 : memref<125xi32, #tpu.memory_space<vmem>>) semaphore(%run_scoped3A : memref<!tpu.dma_semaphore, #tpu.memory_space<semaphore_mem>>) {add = true}
          %dma_wait3A_64 = arith.constant 0 : i32
          %dma_wait3A_65 = tpu.memref_slice %arg7[%mul3A_30, %dma_wait3A_64] : memref<40x125xi32, #tpu.memory_space<vmem>> -> memref<1x125xi32, #tpu.memory_space<vmem>>
          %dma_wait3A_66 = tpu.memref_squeeze %dma_wait3A_65 : memref<1x125xi32, #tpu.memory_space<vmem>> -> memref<125xi32, #tpu.memory_space<vmem>>
          %dma_wait3A_67 = arith.constant 0 : i32
          %dma_wait3A_68 = arith.constant 0 : i32
          %dma_wait3A_69 = tpu.memref_slice %arg10[%dma_wait3A_67, %dma_wait3A_68] : memref<10240x128xf32, #tpu.memory_space<vmem_shared>> -> memref<10240x128xf32, #tpu.memory_space<vmem_shared>>
          tpu.wait_indirect_dma semaphore(%run_scoped3A : memref<!tpu.dma_semaphore, #tpu.memory_space<semaphore_mem>>) src(%arg8 : memref<125x128xf32, #tpu.memory_space<vmem>>) dst(%dma_wait3A_69 : memref<10240x128xf32, #tpu.memory_space<vmem_shared>>)
          tpu.yield
        }) : () -> ()
        %lt3A = arith.constant 19 : i32
        %lt3A_44 = arith.cmpi slt, %scan3A_28, %lt3A : i32
        %convert_element_type3A_45 = arith.extui %lt3A_44 : i1 to i32
        %cond3A_46 = arith.constant 0 : i32
        %cond3A_47 = arith.cmpi ne, %convert_element_type3A_45, %cond3A_46 : i32
        scf.if %cond3A_47 {
          %add3A_58 = arith.constant 2 : i32
          %add3A_59 = arith.addi %mul3A_30, %add3A_58 : i32
          %dma_start3A_60 = arith.constant 0 : i32
          %dma_start3A_61 = tpu.memref_slice %arg6[%add3A_59, %dma_start3A_60] : memref<40x125xi32, #tpu.memory_space<vmem>> -> memref<1x125xi32, #tpu.memory_space<vmem>>
          %dma_start3A_62 = tpu.memref_squeeze %dma_start3A_61 : memref<1x125xi32, #tpu.memory_space<vmem>> -> memref<125xi32, #tpu.memory_space<vmem>>
          %dma_start3A_63 = arith.constant 0 : i32
          %dma_start3A_64 = arith.constant 0 : i32
          %dma_start3A_65 = tpu.memref_slice %arg2[%dma_start3A_63, %dma_start3A_64] : memref<10240x128xf32, #tpu.memory_space<hbm>> -> memref<10240x128xf32, #tpu.memory_space<hbm>>
          tpu.enqueue_indirect_dma source(%dma_start3A_65 : memref<10240x128xf32, #tpu.memory_space<hbm>>) target(%arg8 : memref<125x128xf32, #tpu.memory_space<vmem>>) offsets(%dma_start3A_62 : memref<125xi32, #tpu.memory_space<vmem>>) semaphore(%arg11 : memref<!tpu.dma_semaphore, #tpu.memory_space<semaphore_mem>>)
        } else {
        }
        %add3A_48 = arith.constant 1 : i32
        %add3A_49 = arith.addi %mul3A_30, %add3A_48 : i32
        %dma_wait3A_50 = arith.constant 0 : i32
        %dma_wait3A_51 = tpu.memref_slice %arg6[%add3A_49, %dma_wait3A_50] : memref<40x125xi32, #tpu.memory_space<vmem>> -> memref<1x125xi32, #tpu.memory_space<vmem>>
        %dma_wait3A_52 = tpu.memref_squeeze %dma_wait3A_51 : memref<1x125xi32, #tpu.memory_space<vmem>> -> memref<125xi32, #tpu.memory_space<vmem>>
        %dma_wait3A_53 = arith.constant 0 : i32
        %dma_wait3A_54 = arith.constant 0 : i32
        %dma_wait3A_55 = tpu.memref_slice %arg2[%dma_wait3A_53, %dma_wait3A_54] : memref<10240x128xf32, #tpu.memory_space<hbm>> -> memref<10240x128xf32, #tpu.memory_space<hbm>>
        tpu.wait_indirect_dma semaphore(%arg12 : memref<!tpu.dma_semaphore, #tpu.memory_space<semaphore_mem>>) src(%dma_wait3A_55 : memref<10240x128xf32, #tpu.memory_space<hbm>>) dst(%arg9 : memref<125x128xf32, #tpu.memory_space<vmem>>)
        %add3A_56 = arith.constant 1 : i32
        %add3A_57 = arith.addi %mul3A_30, %add3A_56 : i32
        "tpu.region"() ({
          %run_scoped3A = tpu.sem_alloc : memref<!tpu.dma_semaphore, #tpu.memory_space<semaphore_mem>>
          %dma_start3A_58 = arith.constant 0 : i32
          %dma_start3A_59 = tpu.memref_slice %arg7[%add3A_57, %dma_start3A_58] : memref<40x125xi32, #tpu.memory_space<vmem>> -> memref<1x125xi32, #tpu.memory_space<vmem>>
          %dma_start3A_60 = tpu.memref_squeeze %dma_start3A_59 : memref<1x125xi32, #tpu.memory_space<vmem>> -> memref<125xi32, #tpu.memory_space<vmem>>
          %dma_start3A_61 = arith.constant 0 : i32
          %dma_start3A_62 = arith.constant 0 : i32
          %dma_start3A_63 = tpu.memref_slice %arg10[%dma_start3A_61, %dma_start3A_62] : memref<10240x128xf32, #tpu.memory_space<vmem_shared>> -> memref<10240x128xf32, #tpu.memory_space<vmem_shared>>
          tpu.enqueue_indirect_dma source(%arg9 : memref<125x128xf32, #tpu.memory_space<vmem>>) target(%dma_start3A_63 : memref<10240x128xf32, #tpu.memory_space<vmem_shared>>) offsets(%dma_start3A_60 : memref<125xi32, #tpu.memory_space<vmem>>) semaphore(%run_scoped3A : memref<!tpu.dma_semaphore, #tpu.memory_space<semaphore_mem>>) {add = true}
          %dma_wait3A_64 = arith.constant 0 : i32
          %dma_wait3A_65 = tpu.memref_slice %arg7[%add3A_57, %dma_wait3A_64] : memref<40x125xi32, #tpu.memory_space<vmem>> -> memref<1x125xi32, #tpu.memory_space<vmem>>
          %dma_wait3A_66 = tpu.memref_squeeze %dma_wait3A_65 : memref<1x125xi32, #tpu.memory_space<vmem>> -> memref<125xi32, #tpu.memory_space<vmem>>
          %dma_wait3A_67 = arith.constant 0 : i32
          %dma_wait3A_68 = arith.constant 0 : i32
          %dma_wait3A_69 = tpu.memref_slice %arg10[%dma_wait3A_67, %dma_wait3A_68] : memref<10240x128xf32, #tpu.memory_space<vmem_shared>> -> memref<10240x128xf32, #tpu.memory_space<vmem_shared>>
          tpu.wait_indirect_dma semaphore(%run_scoped3A : memref<!tpu.dma_semaphore, #tpu.memory_space<semaphore_mem>>) src(%arg9 : memref<125x128xf32, #tpu.memory_space<vmem>>) dst(%dma_wait3A_69 : memref<10240x128xf32, #tpu.memory_space<vmem_shared>>)
          tpu.yield
        }) : () -> ()
      }
      %scan3A_27 = arith.constant 20 : i32
    }
    %scan3A_14 = arith.constant 2 : i32
    %barrier3A_15 = arith.constant 0 : index
    tpu.barrier barrier_id(%barrier3A_15)
    %mul3A_16 = arith.constant 640 : i32
    %mul3A_17 = arith.muli %arg1, %mul3A_16 : i32
    %mul3A_18 = arith.constant 640 : i32
    %mul3A_19 = arith.muli %arg1, %mul3A_18 : i32
    "tpu.region"() ({
      %run_scoped3A = tpu.sem_alloc : memref<!tpu.dma_semaphore, #tpu.memory_space<semaphore_mem>>
      %dma_start3A_20 = arith.constant 0 : i32
      %dma_start3A_21 = tpu.memref_slice %arg5[%arg0, %mul3A_19, %dma_start3A_20] : memref<2x10240x128xf32, #tpu.memory_space<hbm>> -> memref<1x640x128xf32, #tpu.memory_space<hbm>>
      %dma_start3A_22 = tpu.memref_squeeze %dma_start3A_21 : memref<1x640x128xf32, #tpu.memory_space<hbm>> -> memref<640x128xf32, #tpu.memory_space<hbm>>
      %dma_start3A_23 = arith.constant 0 : i32
      %dma_start3A_24 = tpu.memref_slice %arg10[%mul3A_17, %dma_start3A_23] : memref<10240x128xf32, #tpu.memory_space<vmem_shared>> -> memref<640x128xf32, #tpu.memory_space<vmem_shared>>
      tpu.enqueue_dma source(%dma_start3A_24 : memref<640x128xf32, #tpu.memory_space<vmem_shared>>) target(%dma_start3A_22 : memref<640x128xf32, #tpu.memory_space<hbm>>) target_semaphore(%run_scoped3A : memref<!tpu.dma_semaphore, #tpu.memory_space<semaphore_mem>>)
      %dma_wait3A = arith.constant 0 : i32
      %dma_wait3A_25 = tpu.memref_slice %arg5[%arg0, %mul3A_19, %dma_wait3A] : memref<2x10240x128xf32, #tpu.memory_space<hbm>> -> memref<1x640x128xf32, #tpu.memory_space<hbm>>
      %dma_wait3A_26 = tpu.memref_squeeze %dma_wait3A_25 : memref<1x640x128xf32, #tpu.memory_space<hbm>> -> memref<640x128xf32, #tpu.memory_space<hbm>>
      %dma_wait3A_27 = arith.constant 0 : i32
      %dma_wait3A_28 = tpu.memref_slice %arg10[%mul3A_17, %dma_wait3A_27] : memref<10240x128xf32, #tpu.memory_space<vmem_shared>> -> memref<640x128xf32, #tpu.memory_space<vmem_shared>>
      tpu.wait_dma2 semaphore(%run_scoped3A : memref<!tpu.dma_semaphore, #tpu.memory_space<semaphore_mem>>) src(%dma_wait3A_28 : memref<640x128xf32, #tpu.memory_space<vmem_shared>>) dst(%dma_wait3A_26 : memref<640x128xf32, #tpu.memory_space<hbm>>)
      tpu.yield
    }) : () -> ()
    return
  }
}

module attributes {stable_mosaic.version = 14 : i64} {
  func.func @_mm1_body(%arg0: i32, %arg1: memref<640x128xf32, #tpu.memory_space<vmem>>, %arg2: memref<128x128xf32, #tpu.memory_space<vmem>>, %arg3: memref<1x128xf32, #tpu.memory_space<vmem>>, %arg4: memref<640x32xf32, #tpu.memory_space<vmem>>, %arg5: memref<640x32xf32, #tpu.memory_space<vmem>>, %arg6: memref<640x128xf32, #tpu.memory_space<vmem>>, %arg7: memref<640x1xf32, #tpu.memory_space<vmem>>) attributes {dimension_semantics = [#tpu.dimension_semantics<arbitrary>], iteration_bounds = array<i64: 16>, scalar_prefetch = 0 : i64, scratch_operands = 0 : i64, tpu.core_type = #tpu.core_type<tc>, window_params = [{transform_indices = @transform_0, window_bounds = array<i64: 640, 128>}, {pipeline_mode = #tpu.pipeline_mode<synchronous>, transform_indices = @transform_1, window_bounds = array<i64: 128, 128>}, {pipeline_mode = #tpu.pipeline_mode<synchronous>, transform_indices = @transform_2, window_bounds = array<i64: 1, 128>}, {transform_indices = @transform_3, window_bounds = array<i64: 640, 32>}, {transform_indices = @transform_4, window_bounds = array<i64: 640, 32>}, {transform_indices = @transform_5, window_bounds = array<i64: 640, 128>}, {transform_indices = @transform_6, window_bounds = array<i64: 640, 1>}]} {
    %iota3A = tpu.iota {dimensions = array<i32: 1>} : vector<640x128xi32>
    %eq3A = arith.constant 0 : i32
    %eq3A_0 = vector.broadcast %eq3A : i32 to vector<640x128xi32>
    %eq3A_1 = arith.cmpi eq, %iota3A, %eq3A_0 : vector<640x128xi32>
    %get3A = arith.constant 0 : index
    %get3A_2 = arith.constant 0 : index
    %get3A_3 = vector.load %arg1[%get3A, %get3A_2] : memref<640x128xf32, #tpu.memory_space<vmem>>, vector<640x128xf32>
    %jit3A = arith.constant 0.000000e+00 : f32
    %broadcast_in_dim3A = vector.broadcast %jit3A : f32 to vector<640x128xf32>
    %select_n3A = arith.select %eq3A_1, %broadcast_in_dim3A, %get3A_3 : vector<640x128xi1>, vector<640x128xf32>
    %get3A_4 = arith.constant 0 : index
    %get3A_5 = arith.constant 0 : index
    %get3A_6 = vector.load %arg2[%get3A_4, %get3A_5] : memref<128x128xf32, #tpu.memory_space<vmem>>, vector<128x128xf32>
    %dot_general3A = arith.constant dense<0.000000e+00> : vector<640x128xf32>
    %dot_general3A_7 = tpu.matmul %select_n3A, %get3A_6, %dot_general3A {dimension_numbers = #tpu.dot_dimension_numbers<[1], [0], [0], [1], [0, 0, 1, 1], [], []>, transpose_lhs_hint = false} : vector<640x128xf32>, vector<128x128xf32>, vector<640x128xf32> -> vector<640x128xf32>
    %get3A_8 = arith.constant 0 : index
    %get3A_9 = arith.constant 0 : index
    %get3A_10 = vector.load %arg3[%get3A_8, %get3A_9] : memref<1x128xf32, #tpu.memory_space<vmem>>, vector<1x128xf32>
    %add3A = vector.broadcast %get3A_10 : vector<1x128xf32> to vector<640x128xf32>
    %add3A_11 = arith.addf %dot_general3A_7, %add3A : vector<640x128xf32>
    %mul3A = arith.constant 640 : i32
    %mul3A_12 = arith.muli %arg0, %mul3A : i32
    %iota3A_13 = tpu.iota {dimensions = array<i32: 0>} : vector<640x128xi32>
    %add3A_14 = vector.broadcast %mul3A_12 : i32 to vector<640x128xi32>
    %add3A_15 = arith.addi %add3A_14, %iota3A_13 : vector<640x128xi32>
    %eq3A_16 = arith.constant 0 : i32
    %eq3A_17 = vector.broadcast %eq3A_16 : i32 to vector<640x128xi32>
    %eq3A_18 = arith.cmpi eq, %iota3A, %eq3A_17 : vector<640x128xi32>
    %ge3A = arith.constant 10000 : i32
    %ge3A_19 = vector.broadcast %ge3A : i32 to vector<640x128xi32>
    %ge3A_20 = arith.cmpi sge, %add3A_15, %ge3A_19 : vector<640x128xi32>
    %or3A = arith.ori %eq3A_18, %ge3A_20 : vector<640x128xi1>
    %jit3A_21 = arith.constant 0.000000e+00 : f32
    %broadcast_in_dim3A_22 = vector.broadcast %jit3A_21 : f32 to vector<640x128xf32>
    %select_n3A_23 = arith.select %or3A, %broadcast_in_dim3A_22, %add3A_11 : vector<640x128xi1>, vector<640x128xf32>
    %get3A_24 = arith.constant 0 : index
    %get3A_25 = arith.constant 0 : index
    %get3A_26 = vector.load %arg4[%get3A_24, %get3A_25] : memref<640x32xf32, #tpu.memory_space<vmem>>, vector<640x1xf32>
    %get3A_27 = arith.constant 0 : index
    %get3A_28 = arith.constant 0 : index
    %get3A_29 = vector.load %arg5[%get3A_27, %get3A_28] : memref<640x32xf32, #tpu.memory_space<vmem>>, vector<640x1xf32>
    %add3A_30 = arith.addf %get3A_26, %get3A_29 : vector<640x1xf32>
    %sub3A = arith.constant 1.000000e+00 : f32
    %sub3A_31 = vector.broadcast %sub3A : f32 to vector<640x1xf32>
    %sub3A_32 = arith.subf %add3A_30, %sub3A_31 : vector<640x1xf32>
    %rsqrt3A = math.rsqrt %sub3A_32 : vector<640x1xf32>
    %mul3A_33 = vector.broadcast %rsqrt3A : vector<640x1xf32> to vector<640x128xf32>
    %mul3A_34 = arith.mulf %select_n3A_23, %mul3A_33 : vector<640x128xf32>
    %swap3A = arith.constant 0 : index
    %swap3A_35 = arith.constant 0 : index
    %swap3A_36 = vector.load %arg6[%swap3A, %swap3A_35] : memref<640x128xf32, #tpu.memory_space<vmem>>, vector<640x128xf32>
    tpu.vector_store %arg6[%swap3A, %swap3A_35], %mul3A_34 {strides = array<i32>} : memref<640x128xf32, #tpu.memory_space<vmem>>, vector<640x128xf32>,
    %swap3A_37 = arith.constant 0 : index
    %swap3A_38 = arith.constant 0 : index
    %swap3A_39 = vector.load %arg7[%swap3A_37, %swap3A_38] : memref<640x1xf32, #tpu.memory_space<vmem>>, vector<640x1xf32>
    tpu.vector_store %arg7[%swap3A_37, %swap3A_38], %rsqrt3A {strides = array<i32>} : memref<640x1xf32, #tpu.memory_space<vmem>>, vector<640x1xf32>,
    return
  }
  func.func @transform_0(%arg0: i32) -> (i32, i32) {
    %c0_i32 = arith.constant 0 : i32
    %c0_i32_0 = arith.constant 0 : i32
    return %arg0, %c0_i32 : i32, i32
  }
  func.func @transform_1(%arg0: i32) -> (i32, i32) {
    %c0_i32 = arith.constant 0 : i32
    %c0_i32_0 = arith.constant 0 : i32
    %c0_i32_1 = arith.constant 0 : i32
    return %c0_i32, %c0_i32_0 : i32, i32
  }
  func.func @transform_2(%arg0: i32) -> (i32, i32) {
    %c0_i32 = arith.constant 0 : i32
    %c0_i32_0 = arith.constant 0 : i32
    %c0_i32_1 = arith.constant 0 : i32
    return %c0_i32, %c0_i32_0 : i32, i32
  }
  func.func @transform_3(%arg0: i32) -> (i32, i32) {
    %c0_i32 = arith.constant 0 : i32
    %c0_i32_0 = arith.constant 0 : i32
    return %arg0, %c0_i32 : i32, i32
  }
  func.func @transform_4(%arg0: i32) -> (i32, i32) {
    %c0_i32 = arith.constant 0 : i32
    %c0_i32_0 = arith.constant 0 : i32
    return %arg0, %c0_i32 : i32, i32
  }
  func.func @transform_5(%arg0: i32) -> (i32, i32) {
    %c0_i32 = arith.constant 0 : i32
    %c0_i32_0 = arith.constant 0 : i32
    return %arg0, %c0_i32 : i32, i32
  }
  func.func @transform_6(%arg0: i32) -> (i32, i32) {
    %c0_i32 = arith.constant 0 : i32
    %c0_i32_0 = arith.constant 0 : i32
    return %arg0, %c0_i32 : i32, i32
  }
}

module attributes {stable_mosaic.version = 14 : i64} {
  func.func @_mm2_body(%arg0: i32, %arg1: memref<640x128xf32, #tpu.memory_space<vmem>>, %arg2: memref<640x128xf32, #tpu.memory_space<vmem>>, %arg3: memref<640x128xf32, #tpu.memory_space<vmem>>, %arg4: memref<640x1xf32, #tpu.memory_space<vmem>>, %arg5: memref<128x128xf32, #tpu.memory_space<vmem>>, %arg6: memref<1x128xf32, #tpu.memory_space<vmem>>, %arg7: memref<640x128xf32, #tpu.memory_space<vmem>>) attributes {dimension_semantics = [#tpu.dimension_semantics<arbitrary>], iteration_bounds = array<i64: 16>, scalar_prefetch = 0 : i64, scratch_operands = 0 : i64, tpu.core_type = #tpu.core_type<tc>, window_params = [{transform_indices = @transform_0, window_bounds = array<i64: 640, 128>}, {transform_indices = @transform_1, window_bounds = array<i64: 640, 128>}, {transform_indices = @transform_2, window_bounds = array<i64: 640, 128>}, {transform_indices = @transform_3, window_bounds = array<i64: 640, 1>}, {pipeline_mode = #tpu.pipeline_mode<synchronous>, transform_indices = @transform_4, window_bounds = array<i64: 128, 128>}, {pipeline_mode = #tpu.pipeline_mode<synchronous>, transform_indices = @transform_5, window_bounds = array<i64: 1, 128>}, {transform_indices = @transform_6, window_bounds = array<i64: 640, 128>}]} {
    %get3A = arith.constant 0 : index
    %get3A_0 = arith.constant 0 : index
    %get3A_1 = vector.load %arg4[%get3A, %get3A_0] : memref<640x1xf32, #tpu.memory_space<vmem>>, vector<640x1xf32>
    %get3A_2 = arith.constant 0 : index
    %get3A_3 = arith.constant 0 : index
    %get3A_4 = vector.load %arg1[%get3A_2, %get3A_3] : memref<640x128xf32, #tpu.memory_space<vmem>>, vector<640x128xf32>
    %get3A_5 = arith.constant 0 : index
    %get3A_6 = arith.constant 0 : index
    %get3A_7 = vector.load %arg2[%get3A_5, %get3A_6] : memref<640x128xf32, #tpu.memory_space<vmem>>, vector<640x128xf32>
    %add3A = arith.addf %get3A_4, %get3A_7 : vector<640x128xf32>
    %get3A_8 = arith.constant 0 : index
    %get3A_9 = arith.constant 0 : index
    %get3A_10 = vector.load %arg3[%get3A_8, %get3A_9] : memref<640x128xf32, #tpu.memory_space<vmem>>, vector<640x128xf32>
    %sub3A = arith.subf %add3A, %get3A_10 : vector<640x128xf32>
    %mul3A = vector.broadcast %get3A_1 : vector<640x1xf32> to vector<640x128xf32>
    %mul3A_11 = arith.mulf %sub3A, %mul3A : vector<640x128xf32>
    %max3A = arith.constant 0.000000e+00 : f32
    %max3A_12 = vector.broadcast %max3A : f32 to vector<640x128xf32>
    %max3A_13 = arith.maximumf %mul3A_11, %max3A_12 : vector<640x128xf32>
    %get3A_14 = arith.constant 0 : index
    %get3A_15 = arith.constant 0 : index
    %get3A_16 = vector.load %arg5[%get3A_14, %get3A_15] : memref<128x128xf32, #tpu.memory_space<vmem>>, vector<128x128xf32>
    %dot_general3A = arith.constant dense<0.000000e+00> : vector<640x128xf32>
    %dot_general3A_17 = tpu.matmul %max3A_13, %get3A_16, %dot_general3A {dimension_numbers = #tpu.dot_dimension_numbers<[1], [0], [0], [1], [0, 0, 1, 1], [], []>, transpose_lhs_hint = false} : vector<640x128xf32>, vector<128x128xf32>, vector<640x128xf32> -> vector<640x128xf32>
    %get3A_18 = arith.constant 0 : index
    %get3A_19 = arith.constant 0 : index
    %get3A_20 = vector.load %arg6[%get3A_18, %get3A_19] : memref<1x128xf32, #tpu.memory_space<vmem>>, vector<1x128xf32>
    %add3A_21 = vector.broadcast %get3A_20 : vector<1x128xf32> to vector<640x128xf32>
    %add3A_22 = arith.addf %dot_general3A_17, %add3A_21 : vector<640x128xf32>
    %iota3A = tpu.iota {dimensions = array<i32: 1>} : vector<640x128xi32>
    %eq3A = arith.constant 0 : i32
    %eq3A_23 = vector.broadcast %eq3A : i32 to vector<640x128xi32>
    %eq3A_24 = arith.cmpi eq, %iota3A, %eq3A_23 : vector<640x128xi32>
    %jit3A = arith.constant 0.000000e+00 : f32
    %broadcast_in_dim3A = vector.broadcast %jit3A : f32 to vector<640x128xf32>
    %select_n3A = arith.select %eq3A_24, %broadcast_in_dim3A, %add3A_22 : vector<640x128xi1>, vector<640x128xf32>
    %mul3A_25 = vector.broadcast %get3A_1 : vector<640x1xf32> to vector<640x128xf32>
    %mul3A_26 = arith.mulf %select_n3A, %mul3A_25 : vector<640x128xf32>
    %swap3A = arith.constant 0 : index
    %swap3A_27 = arith.constant 0 : index
    %swap3A_28 = vector.load %arg7[%swap3A, %swap3A_27] : memref<640x128xf32, #tpu.memory_space<vmem>>, vector<640x128xf32>
    tpu.vector_store %arg7[%swap3A, %swap3A_27], %mul3A_26 {strides = array<i32>} : memref<640x128xf32, #tpu.memory_space<vmem>>, vector<640x128xf32>,
    return
  }
  func.func @transform_0(%arg0: i32) -> (i32, i32) {
    %c0_i32 = arith.constant 0 : i32
    %c0_i32_0 = arith.constant 0 : i32
    return %arg0, %c0_i32 : i32, i32
  }
  func.func @transform_1(%arg0: i32) -> (i32, i32) {
    %c0_i32 = arith.constant 0 : i32
    %c0_i32_0 = arith.constant 0 : i32
    return %arg0, %c0_i32 : i32, i32
  }
  func.func @transform_2(%arg0: i32) -> (i32, i32) {
    %c0_i32 = arith.constant 0 : i32
    %c0_i32_0 = arith.constant 0 : i32
    return %arg0, %c0_i32 : i32, i32
  }
  func.func @transform_3(%arg0: i32) -> (i32, i32) {
    %c0_i32 = arith.constant 0 : i32
    %c0_i32_0 = arith.constant 0 : i32
    return %arg0, %c0_i32 : i32, i32
  }
  func.func @transform_4(%arg0: i32) -> (i32, i32) {
    %c0_i32 = arith.constant 0 : i32
    %c0_i32_0 = arith.constant 0 : i32
    %c0_i32_1 = arith.constant 0 : i32
    return %c0_i32, %c0_i32_0 : i32, i32
  }
  func.func @transform_5(%arg0: i32) -> (i32, i32) {
    %c0_i32 = arith.constant 0 : i32
    %c0_i32_0 = arith.constant 0 : i32
    %c0_i32_1 = arith.constant 0 : i32
    return %c0_i32, %c0_i32_0 : i32, i32
  }
  func.func @transform_6(%arg0: i32) -> (i32, i32) {
    %c0_i32 = arith.constant 0 : i32
    %c0_i32_0 = arith.constant 0 : i32
    return %arg0, %c0_i32 : i32, i32
  }
}

module attributes {stable_mosaic.version = 14 : i64} {
  func.func @_pool_body(%arg0: i32, %arg1: memref<640x128xf32, #tpu.memory_space<vmem>>, %arg2: memref<640x128xf32, #tpu.memory_space<vmem>>, %arg3: memref<640x128xf32, #tpu.memory_space<vmem>>, %arg4: memref<640x1xf32, #tpu.memory_space<vmem>>, %arg5: memref<1x1x640xi32, #tpu.memory_space<vmem>>, %arg6: memref<128x10xf32, #tpu.memory_space<vmem>>, %arg7: memref<1x10xf32, #tpu.memory_space<vmem>>, %arg8: memref<64x10xf32, #tpu.memory_space<vmem>>, %arg9: memref<64x128xf32, #tpu.memory_space<vmem>>, %arg10: memref<64x1xf32, #tpu.memory_space<vmem>>) attributes {dimension_semantics = [#tpu.dimension_semantics<arbitrary>], iteration_bounds = array<i64: 16>, scalar_prefetch = 0 : i64, scratch_operands = 2 : i64, tpu.core_type = #tpu.core_type<tc>, window_params = [{transform_indices = @transform_0, window_bounds = array<i64: 640, 128>}, {transform_indices = @transform_1, window_bounds = array<i64: 640, 128>}, {transform_indices = @transform_2, window_bounds = array<i64: 640, 128>}, {transform_indices = @transform_3, window_bounds = array<i64: 640, 1>}, {transform_indices = @transform_4, window_bounds = array<i64: 1, 1, 640>}, {pipeline_mode = #tpu.pipeline_mode<synchronous>, transform_indices = @transform_5, window_bounds = array<i64: 128, 10>}, {pipeline_mode = #tpu.pipeline_mode<synchronous>, transform_indices = @transform_6, window_bounds = array<i64: 1, 10>}, {pipeline_mode = #tpu.pipeline_mode<synchronous>, transform_indices = @transform_7, window_bounds = array<i64: 64, 10>}]} {
    %get3A = arith.constant 0 : index
    %get3A_0 = arith.constant 0 : index
    %get3A_1 = vector.load %arg1[%get3A, %get3A_0] : memref<640x128xf32, #tpu.memory_space<vmem>>, vector<640x128xf32>
    %get3A_2 = arith.constant 0 : index
    %get3A_3 = arith.constant 0 : index
    %get3A_4 = vector.load %arg2[%get3A_2, %get3A_3] : memref<640x128xf32, #tpu.memory_space<vmem>>, vector<640x128xf32>
    %add3A = arith.addf %get3A_1, %get3A_4 : vector<640x128xf32>
    %get3A_5 = arith.constant 0 : index
    %get3A_6 = arith.constant 0 : index
    %get3A_7 = vector.load %arg3[%get3A_5, %get3A_6] : memref<640x128xf32, #tpu.memory_space<vmem>>, vector<640x128xf32>
    %sub3A = arith.subf %add3A, %get3A_7 : vector<640x128xf32>
    %get3A_8 = arith.constant 0 : index
    %get3A_9 = arith.constant 0 : index
    %get3A_10 = vector.load %arg4[%get3A_8, %get3A_9] : memref<640x1xf32, #tpu.memory_space<vmem>>, vector<640x1xf32>
    %mul3A = vector.broadcast %get3A_10 : vector<640x1xf32> to vector<640x128xf32>
    %mul3A_11 = arith.mulf %sub3A, %mul3A : vector<640x128xf32>
    %max3A = arith.constant 0.000000e+00 : f32
    %max3A_12 = vector.broadcast %max3A : f32 to vector<640x128xf32>
    %max3A_13 = arith.maximumf %mul3A_11, %max3A_12 : vector<640x128xf32>
    %get3A_14 = arith.constant 0 : index
    %get3A_15 = arith.constant 0 : index
    %get3A_16 = arith.constant 0 : index
    %get3A_17 = vector.load %arg5[%get3A_14, %get3A_15, %get3A_16] : memref<1x1x640xi32, #tpu.memory_space<vmem>>, vector<1x1x640xi32>
    %get3A_18 = vector.shape_cast %get3A_17 : vector<1x1x640xi32> to vector<1x640xi32>
    %iota3A = tpu.iota {dimensions = array<i32: 0>} : vector<64x640xi32>
    %eq3A = vector.broadcast %get3A_18 : vector<1x640xi32> to vector<64x640xi32>
    %eq3A_19 = arith.cmpi eq, %eq3A, %iota3A : vector<64x640xi32>
    %convert_element_type3A = arith.extui %eq3A_19 : vector<64x640xi1> to vector<64x640xi32>
    %convert_element_type3A_20 = arith.sitofp %convert_element_type3A : vector<64x640xi32> to vector<64x640xf32>
    %dot_general3A = arith.constant dense<0.000000e+00> : vector<64x128xf32>
    %dot_general3A_21 = tpu.matmul %convert_element_type3A_20, %max3A_13, %dot_general3A {dimension_numbers = #tpu.dot_dimension_numbers<[1], [0], [0], [1], [0, 0, 1, 1], [], []>, transpose_lhs_hint = false} : vector<64x640xf32>, vector<640x128xf32>, vector<64x128xf32> -> vector<64x128xf32>
    %reduce_sum3A = arith.constant dense<0.000000e+00> : vector<64xf32>
    %reduce_sum3A_22 = vector.multi_reduction <add>, %convert_element_type3A_20, %reduce_sum3A [1] : vector<64x640xf32> to vector<64xf32>
    %broadcast_in_dim3A = vector.shape_cast %reduce_sum3A_22 : vector<64xf32> to vector<64x1xf32>
    %eq3A_23 = arith.constant 0 : i32
    %eq3A_24 = arith.cmpi eq, %arg0, %eq3A_23 : i32
    %convert_element_type3A_25 = arith.extui %eq3A_24 : i1 to i32
    %cond3A = arith.constant 0 : i32
    %cond3A_26 = arith.cmpi ne, %convert_element_type3A_25, %cond3A : i32
    scf.if %cond3A_26 {
      %broadcast_in_dim3A_45 = arith.constant 0.000000e+00 : f32
      %broadcast_in_dim3A_46 = vector.broadcast %broadcast_in_dim3A_45 : f32 to vector<64x128xf32>
      %swap3A_47 = arith.constant 0 : index
      %swap3A_48 = arith.constant 0 : index
      %swap3A_49 = vector.load %arg9[%swap3A_47, %swap3A_48] : memref<64x128xf32, #tpu.memory_space<vmem>>, vector<64x128xf32>
      tpu.vector_store %arg9[%swap3A_47, %swap3A_48], %broadcast_in_dim3A_46 {strides = array<i32>} : memref<64x128xf32, #tpu.memory_space<vmem>>, vector<64x128xf32>,
      %broadcast_in_dim3A_50 = arith.constant 0.000000e+00 : f32
      %broadcast_in_dim3A_51 = vector.broadcast %broadcast_in_dim3A_50 : f32 to vector<64x1xf32>
      %swap3A_52 = arith.constant 0 : index
      %swap3A_53 = arith.constant 0 : index
      %swap3A_54 = vector.load %arg10[%swap3A_52, %swap3A_53] : memref<64x1xf32, #tpu.memory_space<vmem>>, vector<64x1xf32>
      tpu.vector_store %arg10[%swap3A_52, %swap3A_53], %broadcast_in_dim3A_51 {strides = array<i32>} : memref<64x1xf32, #tpu.memory_space<vmem>>, vector<64x1xf32>,
    } else {
    }
    %get3A_27 = arith.constant 0 : index
    %get3A_28 = arith.constant 0 : index
    %get3A_29 = vector.load %arg9[%get3A_27, %get3A_28] : memref<64x128xf32, #tpu.memory_space<vmem>>, vector<64x128xf32>
    %add3A_30 = arith.addf %get3A_29, %dot_general3A_21 : vector<64x128xf32>
    %swap3A = arith.constant 0 : index
    %swap3A_31 = arith.constant 0 : index
    %swap3A_32 = vector.load %arg9[%swap3A, %swap3A_31] : memref<64x128xf32, #tpu.memory_space<vmem>>, vector<64x128xf32>
    tpu.vector_store %arg9[%swap3A, %swap3A_31], %add3A_30 {strides = array<i32>} : memref<64x128xf32, #tpu.memory_space<vmem>>, vector<64x128xf32>,
    %get3A_33 = arith.constant 0 : index
    %get3A_34 = arith.constant 0 : index
    %get3A_35 = vector.load %arg10[%get3A_33, %get3A_34] : memref<64x1xf32, #tpu.memory_space<vmem>>, vector<64x1xf32>
    %add3A_36 = arith.addf %get3A_35, %broadcast_in_dim3A : vector<64x1xf32>
    %swap3A_37 = arith.constant 0 : index
    %swap3A_38 = arith.constant 0 : index
    %swap3A_39 = vector.load %arg10[%swap3A_37, %swap3A_38] : memref<64x1xf32, #tpu.memory_space<vmem>>, vector<64x1xf32>
    tpu.vector_store %arg10[%swap3A_37, %swap3A_38], %add3A_36 {strides = array<i32>} : memref<64x1xf32, #tpu.memory_space<vmem>>, vector<64x1xf32>,
    %eq3A_40 = arith.constant 15 : i32
    %eq3A_41 = arith.cmpi eq, %arg0, %eq3A_40 : i32
    %convert_element_type3A_42 = arith.extui %eq3A_41 : i1 to i32
    %cond3A_43 = arith.constant 0 : i32
    %cond3A_44 = arith.cmpi ne, %convert_element_type3A_42, %cond3A_43 : i32
    scf.if %cond3A_44 {
      %get3A_45 = arith.constant 0 : index
      %get3A_46 = arith.constant 0 : index
      %get3A_47 = vector.load %arg9[%get3A_45, %get3A_46] : memref<64x128xf32, #tpu.memory_space<vmem>>, vector<64x128xf32>
      %get3A_48 = arith.constant 0 : index
      %get3A_49 = arith.constant 0 : index
      %get3A_50 = vector.load %arg10[%get3A_48, %get3A_49] : memref<64x1xf32, #tpu.memory_space<vmem>>, vector<64x1xf32>
      %max3A_51 = arith.constant 1.000000e+00 : f32
      %max3A_52 = vector.broadcast %max3A_51 : f32 to vector<64x1xf32>
      %max3A_53 = arith.maximumf %get3A_50, %max3A_52 : vector<64x1xf32>
      %div3A = vector.broadcast %max3A_53 : vector<64x1xf32> to vector<64x128xf32>
      %div3A_54 = arith.divf %get3A_47, %div3A : vector<64x128xf32>
      %get3A_55 = arith.constant 0 : index
      %get3A_56 = arith.constant 0 : index
      %get3A_57 = vector.load %arg6[%get3A_55, %get3A_56] : memref<128x10xf32, #tpu.memory_space<vmem>>, vector<128x10xf32>
      %dot_general3A_58 = arith.constant dense<0.000000e+00> : vector<64x10xf32>
      %dot_general3A_59 = tpu.matmul %div3A_54, %get3A_57, %dot_general3A_58 {dimension_numbers = #tpu.dot_dimension_numbers<[1], [0], [0], [1], [0, 0, 1, 1], [], []>, transpose_lhs_hint = false} : vector<64x128xf32>, vector<128x10xf32>, vector<64x10xf32> -> vector<64x10xf32>
      %get3A_60 = arith.constant 0 : index
      %get3A_61 = arith.constant 0 : index
      %get3A_62 = vector.load %arg7[%get3A_60, %get3A_61] : memref<1x10xf32, #tpu.memory_space<vmem>>, vector<1x10xf32>
      %add3A_63 = vector.broadcast %get3A_62 : vector<1x10xf32> to vector<64x10xf32>
      %add3A_64 = arith.addf %dot_general3A_59, %add3A_63 : vector<64x10xf32>
      %reduce_max3A = arith.constant dense<0xFF800000> : vector<64xf32>
      %reduce_max3A_65 = vector.multi_reduction <maximumf>, %add3A_64, %reduce_max3A [1] : vector<64x10xf32> to vector<64xf32>
      %broadcast_in_dim3A_66 = vector.shape_cast %reduce_max3A_65 : vector<64xf32> to vector<64x1xf32>
      %sub3A_67 = vector.broadcast %broadcast_in_dim3A_66 : vector<64x1xf32> to vector<64x10xf32>
      %sub3A_68 = arith.subf %add3A_64, %sub3A_67 : vector<64x10xf32>
      %exp3A = math.exp %sub3A_68 : vector<64x10xf32>
      %reduce_sum3A_69 = arith.constant dense<0.000000e+00> : vector<64xf32>
      %reduce_sum3A_70 = vector.multi_reduction <add>, %exp3A, %reduce_sum3A_69 [1] : vector<64x10xf32> to vector<64xf32>
      %broadcast_in_dim3A_71 = vector.shape_cast %reduce_sum3A_70 : vector<64xf32> to vector<64x1xf32>
      %log3A = math.log %broadcast_in_dim3A_71 : vector<64x1xf32>
      %add3A_72 = arith.addf %log3A, %broadcast_in_dim3A_66 : vector<64x1xf32>
      %sub3A_73 = vector.broadcast %add3A_72 : vector<64x1xf32> to vector<64x10xf32>
      %sub3A_74 = arith.subf %add3A_64, %sub3A_73 : vector<64x10xf32>
      %swap3A_75 = arith.constant 0 : index
      %swap3A_76 = arith.constant 0 : index
      %swap3A_77 = vector.load %arg8[%swap3A_75, %swap3A_76] : memref<64x10xf32, #tpu.memory_space<vmem>>, vector<64x10xf32>
      tpu.vector_store %arg8[%swap3A_75, %swap3A_76], %sub3A_74 {strides = array<i32>} : memref<64x10xf32, #tpu.memory_space<vmem>>, vector<64x10xf32>,
    } else {
    }
    return
  }
  func.func @transform_0(%arg0: i32) -> (i32, i32) {
    %c0_i32 = arith.constant 0 : i32
    %c0_i32_0 = arith.constant 0 : i32
    return %arg0, %c0_i32 : i32, i32
  }
  func.func @transform_1(%arg0: i32) -> (i32, i32) {
    %c0_i32 = arith.constant 0 : i32
    %c0_i32_0 = arith.constant 0 : i32
    return %arg0, %c0_i32 : i32, i32
  }
  func.func @transform_2(%arg0: i32) -> (i32, i32) {
    %c0_i32 = arith.constant 0 : i32
    %c0_i32_0 = arith.constant 0 : i32
    return %arg0, %c0_i32 : i32, i32
  }
  func.func @transform_3(%arg0: i32) -> (i32, i32) {
    %c0_i32 = arith.constant 0 : i32
    %c0_i32_0 = arith.constant 0 : i32
    return %arg0, %c0_i32 : i32, i32
  }
  func.func @transform_4(%arg0: i32) -> (i32, i32, i32) {
    %c0_i32 = arith.constant 0 : i32
    %c0_i32_0 = arith.constant 0 : i32
    %c0_i32_1 = arith.constant 0 : i32
    return %arg0, %c0_i32, %c0_i32_0 : i32, i32, i32
  }
  func.func @transform_5(%arg0: i32) -> (i32, i32) {
    %c0_i32 = arith.constant 0 : i32
    %c0_i32_0 = arith.constant 0 : i32
    %c0_i32_1 = arith.constant 0 : i32
    return %c0_i32, %c0_i32_0 : i32, i32
  }
  func.func @transform_6(%arg0: i32) -> (i32, i32) {
    %c0_i32 = arith.constant 0 : i32
    %c0_i32_0 = arith.constant 0 : i32
    %c0_i32_1 = arith.constant 0 : i32
    return %c0_i32, %c0_i32_0 : i32, i32
  }
  func.func @transform_7(%arg0: i32) -> (i32, i32) {
    %c0_i32 = arith.constant 0 : i32
    %c0_i32_0 = arith.constant 0 : i32
    %c0_i32_1 = arith.constant 0 : i32
    return %c0_i32, %c0_i32_0 : i32, i32
  }
}

</mosaic_0001>

<sc_bundles>
// kernel: kernel.11.cloned.1.call-start
scs
__scs_entry_jumppad:
0x0: {  	(pc) =	sbr.rel $0x88, $3  }
0x1: {  	(tag) =	ssettag $0x0;
	lr =	simm.s32 $0x1  }
0x2: {  	[smem:$0x3F98] =	sst lr;
	_ =	strace $0xD0000000  }
0x3: {  	_ = 	snop  }
0x4: {  	_ = 	snop  }
0x5: {  	_ = 	snop  }
0x6: {  	_ = 	snop  }
0x7: {  	_ = 	snop  }
__scs_overlays_trampoline_lowered:
0x8: {  	[smem:$0x3FA7] =	sst s0  }
0x9: {  	[smem:$0x3FA8] =	sst s1  }
0xa: {  	[smem:$0x3FA9] =	sst s2  }
0xb: {  	[smem:$0x3FAA] =	sst s3  }
0xc: {  	[smem:$0x3FAB] =	sst s4  }
0xd: {  	[smem:$0x3FAC] =	sst s5  }
0xe: {  	[smem:$0x3FAD] =	sst s6  }
0xf: {  	[smem:$0x3FAE] =	sst s7  }
0x10: {  	[smem:$0x3FAF] =	sst s8  }
0x11: {  	[smem:$0x3FB0] =	sst s9;
	s0 =	simm.s32 @!p0 $0x0  }
0x12: {  	s1 =	sld [smem:$0x3F96];
	s0 =	simm.s32 @p0 $0x1  }
0x13: {  	[smem:$0x3FB1] =	sst s0;
	s0 =	simm.s32 @!p1 $0x0  }
0x14: {  	s2 =	sld [smem:$0x3F95];
	s0 =	simm.s32 @p1 $0x1  }
0x15: {  	[smem:$0x3FB2] =	sst s0;
	s0 =	simm.s32 @!p2 $0x0  }
0x16: {  	s3 =	sld [smem:$0x3FDB];
	s0 =	simm.s32 @p2 $0x1  }
0x17: {  	s4 =	simm.s32 $0x1BF5;
	[smem:$0x3FB4] =	sst s0  }
0x18: {  	s0 =	sld [smem:$0x3F97];
	_ =	swait.ge [sflag:s4], $0x0  }
0x19: {  	s7 =	sld [smem:$0x3F98]  }
0x1a: {  	s8 =	sadd.s32 $0xFFFFE003, lr  }
0x1b: {  	s9 =	sadd.s32 $0xFFFFFEF7, lr;
	s5 =	simm.s32 $0xFFFFFFFF;
	p2 =	slt.u32 s8, $0xFFFFF086  }
0x1c: {  	p1 =	slt.u32 s9, $0xF7A;
	s5 =	simm.s32 @!p2 $0x0  }
0x1d: {  	s5 =	simm.s32 @p1 $0x1;
	p0 =	seq.s32 s7, s2  }
0x1e: {  	s7 =	smul.u32 @!p0 $0xF7A, s2;
	p2 =	seq.s32 @!p0 s5, $0x0  }
0x1f: {  	s9 =	smul.u32 $0xF7A, s1;
	s8 =	simm.s32 @!p0 $0x1BF5;
	p2 =	por !p2, p0  }
0x20: {  	[sflag:s8] =	ssyncset.s32 @!p0 $0xFFFFF086;
	s6 =	sadd.s32 @!p0 s3, s7;
	s7 =	simm.s32 @!p0 $0x108  }
0x21: {  	s3 =	sadd.s32 s3, s9;
	s6 =	sadd.s32 @!p0 $0x88, s6;
	s7 =	simm.s32 @p2 $0x1082  }
0x22: {  	[simem:s7], [sflag:s8] =	dma.local @!p0 [hbm:s6], $0xF7A  }
0x23: {  	s9 =	sor.u32 $0xD0000000, s2;
	s6 =	simm.s32 $0x108;
	_ =	swait.ge @!p0 [sflag:s8], $0x0  }
0x24: {  	s3 =	sadd.s32 $0x88, s3;
	s6 =	simm.s32 @!p1 $0x1082;
	[sflag:s4] =	ssyncset.s32 $0xFFFFF086  }
0x25: {  	[simem:s6], [sflag:s4] =	dma.local [hbm:s3], $0xF7A  }
0x26: {  	[smem:$0x3F98] =	sst s1;
	(tag) =	ssettag s2;
	_ =	strace s9  }
0x27: {  	s1 =	sld [smem:$0x3FA8]  }
0x28: {  	s2 =	sld [smem:$0x3FA9]  }
0x29: {  	s4 =	sld [smem:$0x3FAB]  }
0x2a: {  	p0 =	seq.s32 s5, $0x0;
	s5 =	sld [smem:$0x3FAC]  }
0x2b: {  	s6 =	sld [smem:$0x3FAD]  }
0x2c: {  	s7 =	sld [smem:$0x3FAE]  }
0x2d: {  	s3 =	simm.s32 $0x108;
	s8 =	sld [smem:$0x3FAF]  }
0x2e: {  	s3 =	simm.s32 @!p0 $0x1082;
	s9 =	sld [smem:$0x3FB0]  }
0x2f: {  	lr =	sadd.s32 s0, s3;
	s0 =	sld [smem:$0x3FA7]  }
0x30: {  	s3 =	sld [smem:$0x3FAA]  }
0x31: {  	[smem:$0x3FB3] =	sst s10  }
0x32: {  	s10 =	sld [smem:$0x3FB1];
	_ =	sdelay $0x3  }
0x33: {  	p0 =	seq.s32 s10, $0x1;
	s10 =	sld [smem:$0x3FB3];
	_ =	sdelay $0x3  }
0x34: {  	[smem:$0x3FB3] =	sst s10  }
0x35: {  	s10 =	sld [smem:$0x3FB2];
	_ =	sdelay $0x3  }
0x36: {  	p1 =	seq.s32 s10, $0x1;
	s10 =	sld [smem:$0x3FB3];
	_ =	sdelay $0x3  }
0x37: {  	[smem:$0x3FB3] =	sst s10  }
0x38: {  	s10 =	sld [smem:$0x3FB4]  }
0x39: {  	_ = 	snop;
	(pc) =	sbr.ind lr, $3  }
0x3a: {  	_ = 	snop  }
0x3b: {  	_ = 	snop  }
0x3c: {  	p2 =	seq.s32 s10, $0x1;
	s10 =	sld [smem:$0x3FB3]  }
0x3d: {  	_ =	shalt  }
0x3e: {  	_ =	shalt  }
0x3f: {  	_ =	shalt  }
0x40: {  	_ =	shalt  }
0x41: {  	_ =	shalt  }
0x42: {  	_ =	shalt  }
0x43: {  	_ =	shalt  }
0x44: {  	_ =	shalt  }
0x45: {  	_ =	shalt  }
0x46: {  	_ =	shalt  }
0x47: {  	_ =	shalt  }
0x48: {  	_ =	shalt  }
0x49: {  	_ =	shalt  }
0x4a: {  	_ =	shalt  }
0x4b: {  	_ =	shalt  }
0x4c: {  	_ =	shalt  }
0x4d: {  	_ =	shalt  }
0x4e: {  	_ =	shalt  }
0x4f: {  	_ =	shalt  }
0x50: {  	_ =	shalt  }
0x51: {  	_ =	shalt  }
0x52: {  	_ =	shalt  }
0x53: {  	_ =	shalt  }
0x54: {  	_ =	shalt  }
0x55: {  	_ =	shalt  }
0x56: {  	_ =	shalt  }
0x57: {  	_ =	shalt  }
0x58: {  	_ =	shalt  }
0x59: {  	_ =	shalt  }
0x5a: {  	_ =	shalt  }
0x5b: {  	_ =	shalt  }
0x5c: {  	_ =	shalt  }
0x5d: {  	_ =	shalt  }
0x5e: {  	_ =	shalt  }
0x5f: {  	_ =	shalt  }
0x60: {  	_ =	shalt  }
0x61: {  	_ =	shalt  }
0x62: {  	_ =	shalt  }
0x63: {  	_ =	shalt  }
0x64: {  	_ =	shalt  }
0x65: {  	_ =	shalt  }
0x66: {  	_ =	shalt  }
0x67: {  	_ =	shalt  }
0x68: {  	_ =	shalt  }
0x69: {  	_ =	shalt  }
0x6a: {  	_ =	shalt  }
0x6b: {  	_ =	shalt  }
0x6c: {  	_ =	shalt  }
0x6d: {  	_ =	shalt  }
0x6e: {  	_ =	shalt  }
0x6f: {  	_ =	shalt  }
0x70: {  	_ =	shalt  }
0x71: {  	_ =	shalt  }
0x72: {  	_ =	shalt  }
0x73: {  	_ =	shalt  }
0x74: {  	_ =	shalt  }
0x75: {  	_ =	shalt  }
0x76: {  	_ =	shalt  }
0x77: {  	_ =	shalt  }
0x78: {  	_ =	shalt  }
0x79: {  	_ =	shalt  }
0x7a: {  	_ =	shalt  }
0x7b: {  	_ =	shalt  }
0x7c: {  	_ =	shalt  }
0x7d: {  	_ =	shalt  }
0x7e: {  	_ =	shalt  }
0x7f: {  	_ =	shalt  }
0x80: {  	_ =	shalt  }
0x81: {  	_ =	shalt  }
0x82: {  	_ =	shalt  }
0x83: {  	_ =	shalt  }
0x84: {  	_ =	shalt  }
0x85: {  	_ =	shalt  }
0x86: {  	_ =	shalt  }
0x87: {  	_ =	shalt  }
.Lfunc_end0:
.L_simem_size_0:
called_computation.1_lowered:
.L_overlay_start_0:
0x88: {  	s2 =	sld [smem:$0x3FD9]  }
0x89: {  	s3 =	sld [smem:$0x3FFE];
	_ =	sdelay $0x1  }
0x8a: {  	s1 =	srdreg.scid  }
0x8b: {  	s0 =	sand.u32 $0x1, s1  }
0x8c: {  	s16 =	sshll.u32 s0, $0xA;
	s2 =	sadd.s32 s3, s2  }
0x8d: {  	s2 =	sadd.s32 s2, s16  }
0x8e: {  	[smem:$0x3FBF] =	sst s2  }
0x8f: {  	_ = 	snop  }
0x90: {  	(tm) =	ssettm $0x1  }
0x91: {  	s17 =	sld [smem:$0x3FFB];
	_ =	sdelay $0x3  }
0x92: {  	_ =	strace s17  }
0x93: {  	s2 =	sld [smem:$0x3FFC];
	_ =	sdelay $0x3  }
0x94: {  	_ =	strace s2  }
0x95: {  	s2 =	sld [smem:$0x3FFD];
	_ =	sdelay $0x3  }
0x96: {  	_ =	strace s2  }
0x97: {  	_ =	strace $0x8FFFFFFF  }
0x98: {  	s18 =	sld [smem:$0x3FDB];
	_ =	sdelay $0x1  }
0x99: {  	s19 =	simm.s32 $_scs_section_size  }
0x9a: {  	s4 =	simm.s32 $_size__tile_overlayer_lowered;
	s5 =	simm.s32 $_tile_overlayer_lowered  }
0x9b: {  	s22 =	simm.s32 $0x1BFF;
	s21 =	sshll.u32 s5, $0x1;
	s2 =	sadd.s32 s19, s18  }
0x9c: {  	s6 =	simm.s32 $0x0;
	s20 =	sshll.u32 s4, $0x1;
	s4 =	sadd.s32 s21, s2  }
0x9d: {  	[timem:s6], [sflag:s22] =	dma.local [hbm:s4], s20  }
0x9e: {  	_ =	swait.ge [sflag:s22], s20  }
0x9f: {  	s3 =	ssub.s32 $0x0, s20;
	[sflag:s22] =	ssyncset.done $0x0  }
0xa0: {  	[sflag:s22] =	ssyncadd.s32 s3;
	_ =	sdelay $0x1  }
0xa1: {  	s23 =	simm.s32 $0x1B8B  }
0xa2: {  	_ =	swait.ge [sflag:s23], $0x1  }
0xa3: {  	[sflag:s23] =	ssyncset.done $0x0  }
0xa4: {  	s25 =	simm.s32 $0x1B8E;
	s24 =	sld [smem:$0x3FFE];
	[sflag:s23] =	ssyncadd.s32 $0xFFFFFFFF  }
0xa5: {  	s26 =	simm.s32 $execute0_lowered;
	[smem:$0x3FD2] =	sst s25  }
0xa6: {  	s4 =	sshll.u32 s26, $0x1;
	_ =	strace $0x80000049;
	[dreg:$0x1] =	wrdreg $0xFFFFFFFF  }
0xa7: {  	s28 =	simm.s32 $_size_execute0_lowered;
	s2 =	sadd.s32 s2, s4;
	[dreg:$0x0] =	wrdreg $0x0  }
0xa8: {  	s4 =	sshll.u32 s28, $0x1;
	[dreg:$0x2] =	wrdreg s2  }
0xa9: {  	[dreg:$0x3] =	wrdreg s4  }
0xaa: {  	[dreg:$0x4] =	wrdreg $0xC0  }
0xab: {  	_ =	task [dreg:s6], $0x5FFFF  }
0xac: {  	[dreg:$0x1] =	wrdreg $0xFFFFFFFF  }
0xad: {  	[dreg:$0x0] =	wrdreg $0x60  }
0xae: {  	[dreg:$0x2] =	wrdreg s24  }
0xaf: {  	[dreg:$0x3] =	wrdreg $0xA8000  }
0xb0: {  	[dreg:$0x4] =	wrdreg $0x9  }
0xb1: {  	_ =	task.clear_ibuf [dreg:s6], $0x5FFFF;
	_ =	strace $0x90000049  }
0xb2: {  	s29 =	simm.s32 $0x9;
	_ =	strace $0x8000004B  }
0xb3: {  	_ =	swait.ge [sflag:s29], $0x1  }
0xb4: {  	[sflag:s29] =	ssyncadd.s32 $0xFFFFFFFF  }
0xb5: {  	_ =	strace $0x9000004B  }
0xb6: {  	_ =	sfence  }
0xb7: {  	s30 =	sld [smem:$0x0];
	_ =	sdelay $0x2  }
0xb8: {  	s31 =	sshll.u32 s1, $0xD;
	s1 =	sshrl.u32 s1, $0x2  }
0xb9: {  	s3 =	sand.u32 $0x4000, s31;
	s1 =	sadd.s32 s1, s30  }
0xba: {  	s0 =	sor.u32 s3, s0;
	s1 =	sshll.u32 s1, $0x11  }
0xbb: {  	s0 =	sor.u32 s1, s0  }
0xbc: {  	s0 =	sadd.s32 $0x8F2B, s0  }
0xbd: {  	[sflag:s0] =	ssyncadd.remote.s32 $0x1  }
0xbe: {  	_ =	sfence.sel $0xFFFF  }
0xbf: {  	[dreg:$0x0] =	wrdreg $0xFFFFFFFF;
	(pc) =	sbr.abs _section_cstart, $3  }
0xc0: {  	[dreg:$0x1] =	wrdreg $0xFFFFFFFF  }
0xc1: {  	_ =	task.clear_ibuf [dreg:s6], $0x2FFFF;
	_ =	strace $0x9FFFFFFF  }
0xc2: {  	(tm) =	ssettm $0x7FFFFFFF  }
0xc3: {  	_ =	shalt  }
tec
execute0_lowered:
.L_overlay_start_1:
0x0: {  	(tag) =	ssettag $0x1  }
0x1: {  	s5 =	rddreg [dreg:$0x0]  }
0x2: {  	s2 =	rddreg [dreg:$0x1]  }
0x3: {  	s0 =	rddreg [dreg:$0x2]  }
0x4: {  	s4 =	srdreg.scid;
	s1 =	stileid.u32  }
0x5: {  	s3 =	simm.s32 $0x0;
	s15 =	simm.s32 $0x2800;
	s18 =	simm.s32 $0x6800  }
0x6: {  	s19 =	simm.s32 $0x1;
	s20 =	simm.s32 $0x2;
	s21 =	simm.s32 $0x1380  }
0x7: {  	s22 =	simm.s32 $0x2700;
	s23 =	simm.s32 $0x2780;
	s24 =	simm.s32 $0x0  }
0x8: {  	s6 =	sand.u32 $0x1, s4;
	s7 =	smul.u32 $0x14000, s1;
	[smem:$0x7FF] =	sst s3  }
0x9: {  	s9 =	sshll.u32 s1, $0x1;
	s4 =	sadd.s32 $0xE600, s5;
	s10 =	sadd.s32 $0x61600, s5  }
0xa: {  	s11 =	sadd.s32 $0x4600, s5;
	s13 =	smul.u32 $0x50000, s1;
	s16 =	sshll.u32 s1, $0x6  }
0xb: {  	s8 =	smul.u32 $0x140000, s6;
	_ =	strace $0x8000004A;
	s9 =	sor.u32 s6, s9  }
0xc: {  	s6 =	ssub.s32 $0x2, s6;
	s16 =	sor.u32 $0x1C03, s16;
	s9 =	smul.u32 $0x2800, s9  }
0xd: {  	s12 =	sshrl.u32 s6, $0x1;
	s31 =	sshrl.u32 s13, $0x2;
	s13 =	simm.s32 $0x1400  }
0xe: {  	s8 =	sadd.s32 s7, s8;
	s12 =	ssub.s32 s6, s12;
	s7 =	sshrl.u32 s7, $0x3  }
0xf: {  	s17 =	sadd.s32 s31, s2;
	s8 =	sshrl.u32 s8, $0x3;
	s9 =	sshrl.u32 s9, $0x3  }
0x10: {  	s7 =	sadd.s32 s4, s7;
	s17 =	sshrl.u32 s17, $0x3;
	s14 =	sadd.s32 s8, s5  }
0x11: {  	s5 =	sadd.s32 s10, s9;
	s6 =	sadd.s32 s11, s9;
	s9 =	sadd.s32 $0x280, s9  }
0x12: {  	s8 =	sadd.s32 s10, s9;
	s9 =	sadd.s32 s11, s9;
	s10 =	sadd.s32 $0x6B600, s14  }
0x13: {  	s11 =	smax.u32 s12, $0x1;
	s12 =	simm.s32 $0x3;
	s14 =	simm.s32 $0x7D  }
.LBB2_1:
0x14: {  	[tilespmem:s3], [sflag:$0x3] =	stream.linear.gather [hbm4b:s5+s3], $0x1400, $0x38;
	[tilespmem:$0x1E800] =	vst v63  }
0x15: {  	_ =	swait.ge [sflag:s12], $0x1400  }
0x16: {  	[sflag:s12] =	ssyncset.done $0x0  }
0x17: {  	[sflag:s12] =	ssyncadd.s32 $0xFFFFEC00  }
0x18: {  	[tilespmem:s13], [sflag:$0x3] =	stream.linear.gather [hbm4b:s6+s3], $0x1400, $0x38;
	[tilespmem:$0x1E800] =	vst v63  }
0x19: {  	_ =	swait.ge [sflag:s12], $0x1400  }
0x1a: {  	[sflag:s12] =	ssyncset.done $0x0  }
0x1b: {  	[sflag:s12] =	ssyncadd.s32 $0xFFFFEC00  }
0x1c: {  	[tilespmem:s15], [sflag:$0x1] =	stream.indirect.gather [hbm4b:s4+s14], $0x80, s3, s14, $0xb8;
	[tilespmem:$0x1E800] =	vst v63  }
0x1d: {  	[spmem:s17], [sflag:s16] =	dma.local [hbm:s7], $0x2800  }
0x1e: {  	_ =	swait.ge [sflag:s12], $0x2800  }
0x1f: {  	[sflag:s12] =	ssyncset.done $0x0  }
0x20: {  	[sflag:s12] =	ssyncadd.s32 $0xFFFFD800  }
0x21: {  	s25 =	simm.s32 $0x80;
	[bflag:$0x0] =	sbarrier.arrive $0xFFFF  }
0x22: {  	[tilespmem:s18], [sflag:$0x2] =	stream.indirect.gather [hbm4b:s4+s14], $0x80, s25, s14, $0xb8;
	[tilespmem:$0x1E800] =	vst v63  }
0x23: {  	_ =	swait.ge [sflag:s19], $0x3E80  }
0x24: {  	[sflag:s19] =	ssyncset.done $0x0  }
0x25: {  	s29 =	simm.s32 $0x1400;
	[sflag:s19] =	ssyncadd.s32 $0xFFFFC180  }
0x26: {  	[spmem:s2] =	stream.indirect.scatter.add.f32 [tilespmem:s15], [sflag:$0x3], $0x80, s29, s14, $0xb8;
	[tilespmem:$0x1E800] =	vst v63  }
0x27: {  	_ =	swait.ge [sflag:s12], $0x3E80  }
0x28: {  	[sflag:s12] =	ssyncset.done $0x0  }
0x29: {  	s30 =	simm.s32 $0x100;
	[sflag:s12] =	ssyncadd.s32 $0xFFFFC180  }
0x2a: {  	[tilespmem:s15], [sflag:$0x1] =	stream.indirect.gather [hbm4b:s4+s14], $0x80, s30, s14, $0xb8;
	[tilespmem:$0x1E800] =	vst v63  }
0x2b: {  	_ =	swait.ge [sflag:s20], $0x3E80  }
0x2c: {  	[sflag:s20] =	ssyncset.done $0x0  }
0x2d: {  	s31 =	simm.s32 $0x1480;
	[sflag:s20] =	ssyncadd.s32 $0xFFFFC180  }
0x2e: {  	[spmem:s2] =	stream.indirect.scatter.add.f32 [tilespmem:s18], [sflag:$0x3], $0x80, s31, s14, $0xb8;
	[tilespmem:$0x1E800] =	vst v63  }
0x2f: {  	_ =	swait.ge [sflag:s12], $0x3E80  }
0x30: {  	s26 =	simm.s32 $0x800;
	s25 =	simm.s32 $0x100;
	[sflag:s12] =	ssyncset.done $0x0  }
.LBB2_2:
0x31: {  	s28 =	sadd.s32 $0x80, s25  }
0x32: {  	[sflag:s12] =	ssyncadd.s32 $0xFFFFC180;
	s29 =	smov.u32 s26;
	s30 =	sadd.s32 $0x400, s26  }
0x33: {  	[tilespmem:s18], [sflag:$0x2] =	stream.indirect.gather [hbm4b:s4+s14], $0x80, s28, s14, $0xb8;
	[tilespmem:$0x1E800] =	vst v63  }
0x34: {  	p0 =	sne.s32 s26, $0x4800;
	_ =	swait.ge [sflag:s19], $0x3E80  }
0x35: {  	[sflag:s19] =	ssyncset.done $0x0  }
0x36: {  	s26 =	sadd.s32 $0x1400, s25;
	[sflag:s19] =	ssyncadd.s32 $0xFFFFC180  }
0x37: {  	[spmem:s2] =	stream.indirect.scatter.add.f32 [tilespmem:s15], [sflag:$0x3], $0x80, s26, s14, $0xb8;
	[tilespmem:$0x1E800] =	vst v63  }
0x38: {  	_ =	swait.ge [sflag:s12], $0x3E80  }
0x39: {  	[sflag:s12] =	ssyncset.done $0x0  }
0x3a: {  	s26 =	sadd.s32 $0x100, s25;
	[sflag:s12] =	ssyncadd.s32 $0xFFFFC180  }
0x3b: {  	[tilespmem:s15], [sflag:$0x1] =	stream.indirect.gather [hbm4b:s4+s14], $0x80, s26, s14, $0xb8;
	[tilespmem:$0x1E800] =	vst v63  }
0x3c: {  	_ =	swait.ge [sflag:s20], $0x3E80  }
.Ltmp0:
0x3d: {  	[sflag:s20] =	ssyncset.done $0x0;
	(pc) =	sbr.rel @p0 .LBB2_2-.Ltmp0, $4  }
0x3e: {  	s25 =	sadd.s32 $0x1480, s25;
	[sflag:s20] =	ssyncadd.s32 $0xFFFFC180  }
0x3f: {  	[spmem:s2] =	stream.indirect.scatter.add.f32 [tilespmem:s18], [sflag:$0x3], $0x80, s25, s14, $0xb8;
	[tilespmem:$0x1E800] =	vst v63  }
0x40: {  	_ =	swait.ge [sflag:s12], $0x3E80  }
0x41: {  	s26 =	smov.u32 s30;
	s25 =	sshra.s32 s29, $0x2;
	[sflag:s12] =	ssyncset.done $0x0  }
0x42: {  	s26 =	sadd.s32 $0x80, s25;
	[sflag:s12] =	ssyncadd.s32 $0xFFFFC180  }
0x43: {  	[tilespmem:s18], [sflag:$0x2] =	stream.indirect.gather [hbm4b:s4+s14], $0x80, s26, s14, $0xb8;
	[tilespmem:$0x1E800] =	vst v63  }
0x44: {  	_ =	swait.ge [sflag:s19], $0x3E80  }
0x45: {  	[sflag:s19] =	ssyncset.done $0x0  }
0x46: {  	s29 =	sadd.s32 $0x1400, s25;
	[sflag:s19] =	ssyncadd.s32 $0xFFFFC180  }
0x47: {  	[spmem:s2] =	stream.indirect.scatter.add.f32 [tilespmem:s15], [sflag:$0x3], $0x80, s29, s14, $0xb8;
	[tilespmem:$0x1E800] =	vst v63  }
0x48: {  	_ =	swait.ge [sflag:s12], $0x3E80  }
0x49: {  	[sflag:s12] =	ssyncset.done $0x0  }
0x4a: {  	s30 =	sadd.s32 $0x100, s25;
	[sflag:s12] =	ssyncadd.s32 $0xFFFFC180  }
0x4b: {  	[tilespmem:s15], [sflag:$0x1] =	stream.indirect.gather [hbm4b:s4+s14], $0x80, s30, s14, $0xb8;
	[tilespmem:$0x1E800] =	vst v63  }
0x4c: {  	_ =	swait.ge [sflag:s20], $0x3E80  }
0x4d: {  	[sflag:s20] =	ssyncset.done $0x0  }
0x4e: {  	s31 =	sadd.s32 $0x1480, s25;
	[sflag:s20] =	ssyncadd.s32 $0xFFFFC180  }
0x4f: {  	[spmem:s2] =	stream.indirect.scatter.add.f32 [tilespmem:s18], [sflag:$0x3], $0x80, s31, s14, $0xb8;
	[tilespmem:$0x1E800] =	vst v63  }
0x50: {  	_ =	swait.ge [sflag:s12], $0x3E80  }
0x51: {  	[sflag:s12] =	ssyncset.done $0x0  }
0x52: {  	[sflag:s12] =	ssyncadd.s32 $0xFFFFC180  }
0x53: {  	[tilespmem:s18], [sflag:$0x2] =	stream.indirect.gather [hbm4b:s4+s14], $0x80, s21, s14, $0xb8;
	[tilespmem:$0x1E800] =	vst v63  }
0x54: {  	_ =	swait.ge [sflag:s19], $0x3E80  }
0x55: {  	[sflag:s19] =	ssyncset.done $0x0  }
0x56: {  	[sflag:s19] =	ssyncadd.s32 $0xFFFFC180  }
0x57: {  	[spmem:s2] =	stream.indirect.scatter.add.f32 [tilespmem:s15], [sflag:$0x3], $0x80, s22, s14, $0xb8;
	[tilespmem:$0x1E800] =	vst v63  }
0x58: {  	_ =	swait.ge [sflag:s12], $0x3E80  }
0x59: {  	[sflag:s12] =	ssyncset.done $0x0  }
0x5a: {  	[sflag:s12] =	ssyncadd.s32 $0xFFFFC180  }
0x5b: {  	_ =	swait.ge [sflag:s20], $0x3E80  }
0x5c: {  	[sflag:s20] =	ssyncset.done $0x0  }
0x5d: {  	[sflag:s20] =	ssyncadd.s32 $0xFFFFC180  }
0x5e: {  	[spmem:s2] =	stream.indirect.scatter.add.f32 [tilespmem:s18], [sflag:$0x3], $0x80, s23, s14, $0xb8;
	[tilespmem:$0x1E800] =	vst v63  }
0x5f: {  	_ =	swait.ge [sflag:s12], $0x3E80  }
0x60: {  	[sflag:s12] =	ssyncset.done $0x0  }
0x61: {  	s26 =	simm.s32 $0x0;
	[sflag:s12] =	ssyncadd.s32 $0xFFFFC180  }
0x62: {  	[tilespmem:s26], [sflag:$0x3] =	stream.linear.gather [hbm4b:s8+s26], $0x1400, $0x38;
	[tilespmem:$0x1E800] =	vst v63  }
0x63: {  	_ =	swait.ge [sflag:s12], $0x1400  }
0x64: {  	[sflag:s12] =	ssyncset.done $0x0  }
0x65: {  	[sflag:s12] =	ssyncadd.s32 $0xFFFFEC00  }
0x66: {  	[tilespmem:s13], [sflag:$0x3] =	stream.linear.gather [hbm4b:s9+s26], $0x1400, $0x38;
	[tilespmem:$0x1E800] =	vst v63  }
0x67: {  	_ =	swait.ge [sflag:s12], $0x1400  }
0x68: {  	[sflag:s12] =	ssyncset.done $0x0  }
0x69: {  	[sflag:s12] =	ssyncadd.s32 $0xFFFFEC00  }
0x6a: {  	[tilespmem:s15], [sflag:$0x1] =	stream.indirect.gather [hbm4b:s4+s14], $0x80, s26, s14, $0xb8;
	[tilespmem:$0x1E800] =	vst v63  }
0x6b: {  	s28 =	simm.s32 $0x80  }
0x6c: {  	[tilespmem:s18], [sflag:$0x2] =	stream.indirect.gather [hbm4b:s4+s14], $0x80, s28, s14, $0xb8;
	[tilespmem:$0x1E800] =	vst v63  }
0x6d: {  	_ =	swait.ge [sflag:s19], $0x3E80  }
0x6e: {  	[sflag:s19] =	ssyncset.done $0x0  }
0x6f: {  	s29 =	simm.s32 $0x1400;
	[sflag:s19] =	ssyncadd.s32 $0xFFFFC180  }
0x70: {  	[spmem:s2] =	stream.indirect.scatter.add.f32 [tilespmem:s15], [sflag:$0x3], $0x80, s29, s14, $0xb8;
	[tilespmem:$0x1E800] =	vst v63  }
0x71: {  	_ =	swait.ge [sflag:s12], $0x3E80  }
0x72: {  	[sflag:s12] =	ssyncset.done $0x0  }
0x73: {  	s30 =	simm.s32 $0x100;
	[sflag:s12] =	ssyncadd.s32 $0xFFFFC180  }
0x74: {  	[tilespmem:s15], [sflag:$0x1] =	stream.indirect.gather [hbm4b:s4+s14], $0x80, s30, s14, $0xb8;
	[tilespmem:$0x1E800] =	vst v63  }
0x75: {  	_ =	swait.ge [sflag:s20], $0x3E80  }
0x76: {  	[sflag:s20] =	ssyncset.done $0x0  }
0x77: {  	s31 =	simm.s32 $0x1480;
	[sflag:s20] =	ssyncadd.s32 $0xFFFFC180  }
0x78: {  	[spmem:s2] =	stream.indirect.scatter.add.f32 [tilespmem:s18], [sflag:$0x3], $0x80, s31, s14, $0xb8;
	[tilespmem:$0x1E800] =	vst v63  }
0x79: {  	_ =	swait.ge [sflag:s12], $0x3E80  }
0x7a: {  	s25 =	simm.s32 $0x100;
	s26 =	simm.s32 $0x800;
	[sflag:s12] =	ssyncset.done $0x0  }
.LBB2_4:
0x7b: {  	s28 =	sadd.s32 $0x80, s25  }
0x7c: {  	[sflag:s12] =	ssyncadd.s32 $0xFFFFC180;
	s29 =	smov.u32 s26;
	s30 =	sadd.s32 $0x400, s26  }
0x7d: {  	[tilespmem:s18], [sflag:$0x2] =	stream.indirect.gather [hbm4b:s4+s14], $0x80, s28, s14, $0xb8;
	[tilespmem:$0x1E800] =	vst v63  }
0x7e: {  	p0 =	sne.s32 s26, $0x4800;
	_ =	swait.ge [sflag:s19], $0x3E80  }
0x7f: {  	[sflag:s19] =	ssyncset.done $0x0  }
0x80: {  	s26 =	sadd.s32 $0x1400, s25;
	[sflag:s19] =	ssyncadd.s32 $0xFFFFC180  }
0x81: {  	[spmem:s2] =	stream.indirect.scatter.add.f32 [tilespmem:s15], [sflag:$0x3], $0x80, s26, s14, $0xb8;
	[tilespmem:$0x1E800] =	vst v63  }
0x82: {  	_ =	swait.ge [sflag:s12], $0x3E80  }
0x83: {  	[sflag:s12] =	ssyncset.done $0x0  }
0x84: {  	s26 =	sadd.s32 $0x100, s25;
	[sflag:s12] =	ssyncadd.s32 $0xFFFFC180  }
0x85: {  	[tilespmem:s15], [sflag:$0x1] =	stream.indirect.gather [hbm4b:s4+s14], $0x80, s26, s14, $0xb8;
	[tilespmem:$0x1E800] =	vst v63  }
0x86: {  	_ =	swait.ge [sflag:s20], $0x3E80  }
.Ltmp1:
0x87: {  	[sflag:s20] =	ssyncset.done $0x0;
	(pc) =	sbr.rel @p0 .LBB2_4-.Ltmp1, $4  }
0x88: {  	s25 =	sadd.s32 $0x1480, s25;
	[sflag:s20] =	ssyncadd.s32 $0xFFFFC180  }
0x89: {  	[spmem:s2] =	stream.indirect.scatter.add.f32 [tilespmem:s18], [sflag:$0x3], $0x80, s25, s14, $0xb8;
	[tilespmem:$0x1E800] =	vst v63  }
0x8a: {  	_ =	swait.ge [sflag:s12], $0x3E80  }
0x8b: {  	s26 =	smov.u32 s30;
	s25 =	sshra.s32 s29, $0x2;
	[sflag:s12] =	ssyncset.done $0x0  }
0x8c: {  	s26 =	sadd.s32 $0x80, s25;
	[sflag:s12] =	ssyncadd.s32 $0xFFFFC180  }
0x8d: {  	[tilespmem:s18], [sflag:$0x2] =	stream.indirect.gather [hbm4b:s4+s14], $0x80, s26, s14, $0xb8;
	[tilespmem:$0x1E800] =	vst v63  }
0x8e: {  	_ =	swait.ge [sflag:s19], $0x3E80  }
0x8f: {  	[sflag:s19] =	ssyncset.done $0x0  }
0x90: {  	s29 =	sadd.s32 $0x1400, s25;
	[sflag:s19] =	ssyncadd.s32 $0xFFFFC180  }
0x91: {  	[spmem:s2] =	stream.indirect.scatter.add.f32 [tilespmem:s15], [sflag:$0x3], $0x80, s29, s14, $0xb8;
	[tilespmem:$0x1E800] =	vst v63  }
0x92: {  	_ =	swait.ge [sflag:s12], $0x3E80  }
0x93: {  	[sflag:s12] =	ssyncset.done $0x0  }
0x94: {  	s30 =	sadd.s32 $0x100, s25;
	[sflag:s12] =	ssyncadd.s32 $0xFFFFC180  }
0x95: {  	[tilespmem:s15], [sflag:$0x1] =	stream.indirect.gather [hbm4b:s4+s14], $0x80, s30, s14, $0xb8;
	[tilespmem:$0x1E800] =	vst v63  }
0x96: {  	_ =	swait.ge [sflag:s20], $0x3E80  }
0x97: {  	[sflag:s20] =	ssyncset.done $0x0  }
0x98: {  	s31 =	sadd.s32 $0x1480, s25;
	[sflag:s20] =	ssyncadd.s32 $0xFFFFC180  }
0x99: {  	[spmem:s2] =	stream.indirect.scatter.add.f32 [tilespmem:s18], [sflag:$0x3], $0x80, s31, s14, $0xb8;
	[tilespmem:$0x1E800] =	vst v63  }
0x9a: {  	_ =	swait.ge [sflag:s12], $0x3E80  }
0x9b: {  	[sflag:s12] =	ssyncset.done $0x0  }
0x9c: {  	[sflag:s12] =	ssyncadd.s32 $0xFFFFC180  }
0x9d: {  	[tilespmem:s18], [sflag:$0x2] =	stream.indirect.gather [hbm4b:s4+s14], $0x80, s21, s14, $0xb8;
	[tilespmem:$0x1E800] =	vst v63  }
0x9e: {  	_ =	swait.ge [sflag:s19], $0x3E80  }
0x9f: {  	[sflag:s19] =	ssyncset.done $0x0  }
0xa0: {  	[sflag:s19] =	ssyncadd.s32 $0xFFFFC180  }
0xa1: {  	[spmem:s2] =	stream.indirect.scatter.add.f32 [tilespmem:s15], [sflag:$0x3], $0x80, s22, s14, $0xb8;
	[tilespmem:$0x1E800] =	vst v63  }
0xa2: {  	_ =	swait.ge [sflag:s12], $0x3E80  }
0xa3: {  	[sflag:s12] =	ssyncset.done $0x0  }
0xa4: {  	[sflag:s12] =	ssyncadd.s32 $0xFFFFC180  }
0xa5: {  	_ =	swait.ge [sflag:s20], $0x3E80  }
0xa6: {  	[sflag:s20] =	ssyncset.done $0x0  }
0xa7: {  	[sflag:s20] =	ssyncadd.s32 $0xFFFFC180  }
0xa8: {  	[spmem:s2] =	stream.indirect.scatter.add.f32 [tilespmem:s18], [sflag:$0x3], $0x80, s23, s14, $0xb8;
	[tilespmem:$0x1E800] =	vst v63  }
0xa9: {  	_ =	swait.ge [sflag:s12], $0x3E80  }
0xaa: {  	s24 =	sadd.s32 $0x1, s24;
	[sflag:s12] =	ssyncset.done $0x0  }
0xab: {  	p0 =	sne.s32 s24, s11;
	[sflag:s12] =	ssyncadd.s32 $0xFFFFC180  }
.Ltmp2:
0xac: {  	[bflag:$0x0] =	sbarrier.arrive $0xFFFF;
	(pc) =	sbr.rel @p0 .LBB2_1-.Ltmp2, $4  }
0xad: {  	[hbm:s10], [sflag:s16] =	dma.local [spmem:s17], $0x2800  }
0xae: {  	_ =	swait.ge [sflag:s12], $0x2800  }
0xaf: {  	[sflag:s12] =	ssyncset.done $0x0  }
0xb0: {  	[sflag:s12] =	ssyncadd.s32 $0xFFFFD800  }
0xb1: {  	_ =	sfence.sel $0x180000  }
0xb2: {  	[bflag:$0x0] =	sbarrier.arrive $0xFFFF  }
0xb3: {  	p0 =	sne.s32 s1, $0x0;
	_ =	strace $0x9000004A  }
0xb4: {  	s0 =	sadd.s32 @!p0 $0x100000, s0;
	[bflag:$0x2] =	sbarrier.arrive $0xFFFF  }
0xb5: {  	[sflag:s0] =	ssyncadd.tile.s32 @!p0 $0x1;
	_ =	shalt  }
.Lfunc_end2:
_tile_overlayer_lowered:
.L_overlay_start_2:
0xb6: {  	(tag) =	ssettag $0x2  }
0xb7: {  	s0 =	rddreg [dreg:$0x0];
	s2 =	stileid.u32  }
0xb8: {  	s1 =	rddreg [dreg:$0x1];
	p0 =	sne.s32 s2, $0x0  }
0xb9: {  	s3 =	rddreg [dreg:$0x2];
	[bflag:$0x3] =	sbarrier.arrive $0xFFFF;
	s2 =	simm.s32 @!p0 $0x1C03  }
0xba: {  	[timem:s3], [sflag:s2] =	dma.local @!p0 [hbm:s0], s1  }
0xbb: {  	s0 =	simm.s32 @!p0 $0x3  }
0xbc: {  	_ =	swait.ge @!p0 [sflag:s0], s1  }
0xbd: {  	s1 =	ssub.s32 @!p0 $0x0, s1;
	[sflag:s0] =	ssyncset.done @!p0 $0x0  }
0xbe: {  	[sflag:s0] =	ssyncadd.s32 @!p0 s1  }
0xbf: {  	[bflag:$0x3] =	sbarrier.arrive $0xFFFF  }
0xc0: {  	_ =	shalt  }

// kernel: kernel.14.cloned.1.call-start
scs
__scs_entry_jumppad:
0x0: {  	(pc) =	sbr.rel $0x88, $3  }
0x1: {  	(tag) =	ssettag $0x0;
	lr =	simm.s32 $0x1  }
0x2: {  	[smem:$0x3F98] =	sst lr;
	_ =	strace $0xD0000000  }
0x3: {  	_ = 	snop  }
0x4: {  	_ = 	snop  }
0x5: {  	_ = 	snop  }
0x6: {  	_ = 	snop  }
0x7: {  	_ = 	snop  }
__scs_overlays_trampoline_lowered:
0x8: {  	[smem:$0x3FA7] =	sst s0  }
0x9: {  	[smem:$0x3FA8] =	sst s1  }
0xa: {  	[smem:$0x3FA9] =	sst s2  }
0xb: {  	[smem:$0x3FAA] =	sst s3  }
0xc: {  	[smem:$0x3FAB] =	sst s4  }
0xd: {  	[smem:$0x3FAC] =	sst s5  }
0xe: {  	[smem:$0x3FAD] =	sst s6  }
0xf: {  	[smem:$0x3FAE] =	sst s7  }
0x10: {  	[smem:$0x3FAF] =	sst s8  }
0x11: {  	[smem:$0x3FB0] =	sst s9;
	s0 =	simm.s32 @!p0 $0x0  }
0x12: {  	s1 =	sld [smem:$0x3F96];
	s0 =	simm.s32 @p0 $0x1  }
0x13: {  	[smem:$0x3FB1] =	sst s0;
	s0 =	simm.s32 @!p1 $0x0  }
0x14: {  	s2 =	sld [smem:$0x3F95];
	s0 =	simm.s32 @p1 $0x1  }
0x15: {  	[smem:$0x3FB2] =	sst s0;
	s0 =	simm.s32 @!p2 $0x0  }
0x16: {  	s3 =	sld [smem:$0x3FDB];
	s0 =	simm.s32 @p2 $0x1  }
0x17: {  	s4 =	simm.s32 $0x1BF5;
	[smem:$0x3FB4] =	sst s0  }
0x18: {  	s0 =	sld [smem:$0x3F97];
	_ =	swait.ge [sflag:s4], $0x0  }
0x19: {  	s7 =	sld [smem:$0x3F98]  }
0x1a: {  	s8 =	sadd.s32 $0xFFFFE003, lr  }
0x1b: {  	s9 =	sadd.s32 $0xFFFFFEF7, lr;
	s5 =	simm.s32 $0xFFFFFFFF;
	p2 =	slt.u32 s8, $0xFFFFF086  }
0x1c: {  	p1 =	slt.u32 s9, $0xF7A;
	s5 =	simm.s32 @!p2 $0x0  }
0x1d: {  	s5 =	simm.s32 @p1 $0x1;
	p0 =	seq.s32 s7, s2  }
0x1e: {  	s7 =	smul.u32 @!p0 $0xF7A, s2;
	p2 =	seq.s32 @!p0 s5, $0x0  }
0x1f: {  	s9 =	smul.u32 $0xF7A, s1;
	s8 =	simm.s32 @!p0 $0x1BF5;
	p2 =	por !p2, p0  }
0x20: {  	[sflag:s8] =	ssyncset.s32 @!p0 $0xFFFFF086;
	s6 =	sadd.s32 @!p0 s3, s7;
	s7 =	simm.s32 @!p0 $0x108  }
0x21: {  	s3 =	sadd.s32 s3, s9;
	s6 =	sadd.s32 @!p0 $0x88, s6;
	s7 =	simm.s32 @p2 $0x1082  }
0x22: {  	[simem:s7], [sflag:s8] =	dma.local @!p0 [hbm:s6], $0xF7A  }
0x23: {  	s9 =	sor.u32 $0xD0000000, s2;
	s6 =	simm.s32 $0x108;
	_ =	swait.ge @!p0 [sflag:s8], $0x0  }
0x24: {  	s3 =	sadd.s32 $0x88, s3;
	s6 =	simm.s32 @!p1 $0x1082;
	[sflag:s4] =	ssyncset.s32 $0xFFFFF086  }
0x25: {  	[simem:s6], [sflag:s4] =	dma.local [hbm:s3], $0xF7A  }
0x26: {  	[smem:$0x3F98] =	sst s1;
	(tag) =	ssettag s2;
	_ =	strace s9  }
0x27: {  	s1 =	sld [smem:$0x3FA8]  }
0x28: {  	s2 =	sld [smem:$0x3FA9]  }
0x29: {  	s4 =	sld [smem:$0x3FAB]  }
0x2a: {  	p0 =	seq.s32 s5, $0x0;
	s5 =	sld [smem:$0x3FAC]  }
0x2b: {  	s6 =	sld [smem:$0x3FAD]  }
0x2c: {  	s7 =	sld [smem:$0x3FAE]  }
0x2d: {  	s3 =	simm.s32 $0x108;
	s8 =	sld [smem:$0x3FAF]  }
0x2e: {  	s3 =	simm.s32 @!p0 $0x1082;
	s9 =	sld [smem:$0x3FB0]  }
0x2f: {  	lr =	sadd.s32 s0, s3;
	s0 =	sld [smem:$0x3FA7]  }
0x30: {  	s3 =	sld [smem:$0x3FAA]  }
0x31: {  	[smem:$0x3FB3] =	sst s10  }
0x32: {  	s10 =	sld [smem:$0x3FB1];
	_ =	sdelay $0x3  }
0x33: {  	p0 =	seq.s32 s10, $0x1;
	s10 =	sld [smem:$0x3FB3];
	_ =	sdelay $0x3  }
0x34: {  	[smem:$0x3FB3] =	sst s10  }
0x35: {  	s10 =	sld [smem:$0x3FB2];
	_ =	sdelay $0x3  }
0x36: {  	p1 =	seq.s32 s10, $0x1;
	s10 =	sld [smem:$0x3FB3];
	_ =	sdelay $0x3  }
0x37: {  	[smem:$0x3FB3] =	sst s10  }
0x38: {  	s10 =	sld [smem:$0x3FB4]  }
0x39: {  	_ = 	snop;
	(pc) =	sbr.ind lr, $3  }
0x3a: {  	_ = 	snop  }
0x3b: {  	_ = 	snop  }
0x3c: {  	p2 =	seq.s32 s10, $0x1;
	s10 =	sld [smem:$0x3FB3]  }
0x3d: {  	_ =	shalt  }
0x3e: {  	_ =	shalt  }
0x3f: {  	_ =	shalt  }
0x40: {  	_ =	shalt  }
0x41: {  	_ =	shalt  }
0x42: {  	_ =	shalt  }
0x43: {  	_ =	shalt  }
0x44: {  	_ =	shalt  }
0x45: {  	_ =	shalt  }
0x46: {  	_ =	shalt  }
0x47: {  	_ =	shalt  }
0x48: {  	_ =	shalt  }
0x49: {  	_ =	shalt  }
0x4a: {  	_ =	shalt  }
0x4b: {  	_ =	shalt  }
0x4c: {  	_ =	shalt  }
0x4d: {  	_ =	shalt  }
0x4e: {  	_ =	shalt  }
0x4f: {  	_ =	shalt  }
0x50: {  	_ =	shalt  }
0x51: {  	_ =	shalt  }
0x52: {  	_ =	shalt  }
0x53: {  	_ =	shalt  }
0x54: {  	_ =	shalt  }
0x55: {  	_ =	shalt  }
0x56: {  	_ =	shalt  }
0x57: {  	_ =	shalt  }
0x58: {  	_ =	shalt  }
0x59: {  	_ =	shalt  }
0x5a: {  	_ =	shalt  }
0x5b: {  	_ =	shalt  }
0x5c: {  	_ =	shalt  }
0x5d: {  	_ =	shalt  }
0x5e: {  	_ =	shalt  }
0x5f: {  	_ =	shalt  }
0x60: {  	_ =	shalt  }
0x61: {  	_ =	shalt  }
0x62: {  	_ =	shalt  }
0x63: {  	_ =	shalt  }
0x64: {  	_ =	shalt  }
0x65: {  	_ =	shalt  }
0x66: {  	_ =	shalt  }
0x67: {  	_ =	shalt  }
0x68: {  	_ =	shalt  }
0x69: {  	_ =	shalt  }
0x6a: {  	_ =	shalt  }
0x6b: {  	_ =	shalt  }
0x6c: {  	_ =	shalt  }
0x6d: {  	_ =	shalt  }
0x6e: {  	_ =	shalt  }
0x6f: {  	_ =	shalt  }
0x70: {  	_ =	shalt  }
0x71: {  	_ =	shalt  }
0x72: {  	_ =	shalt  }
0x73: {  	_ =	shalt  }
0x74: {  	_ =	shalt  }
0x75: {  	_ =	shalt  }
0x76: {  	_ =	shalt  }
0x77: {  	_ =	shalt  }
0x78: {  	_ =	shalt  }
0x79: {  	_ =	shalt  }
0x7a: {  	_ =	shalt  }
0x7b: {  	_ =	shalt  }
0x7c: {  	_ =	shalt  }
0x7d: {  	_ =	shalt  }
0x7e: {  	_ =	shalt  }
0x7f: {  	_ =	shalt  }
0x80: {  	_ =	shalt  }
0x81: {  	_ =	shalt  }
0x82: {  	_ =	shalt  }
0x83: {  	_ =	shalt  }
0x84: {  	_ =	shalt  }
0x85: {  	_ =	shalt  }
0x86: {  	_ =	shalt  }
0x87: {  	_ =	shalt  }
.Lfunc_end0:
.L_simem_size_0:
called_computation.2_lowered:
.L_overlay_start_0:
0x88: {  	s2 =	sld [smem:$0x3FD9]  }
0x89: {  	s3 =	sld [smem:$0x3FFE];
	_ =	sdelay $0x1  }
0x8a: {  	s1 =	srdreg.scid  }
0x8b: {  	s0 =	sand.u32 $0x1, s1  }
0x8c: {  	s16 =	sshll.u32 s0, $0xA;
	s2 =	sadd.s32 s3, s2  }
0x8d: {  	s2 =	sadd.s32 s2, s16  }
0x8e: {  	[smem:$0x3FBF] =	sst s2  }
0x8f: {  	_ = 	snop  }
0x90: {  	(tm) =	ssettm $0x1  }
0x91: {  	s17 =	sld [smem:$0x3FFB];
	_ =	sdelay $0x3  }
0x92: {  	_ =	strace s17  }
0x93: {  	s2 =	sld [smem:$0x3FFC];
	_ =	sdelay $0x3  }
0x94: {  	_ =	strace s2  }
0x95: {  	s2 =	sld [smem:$0x3FFD];
	_ =	sdelay $0x3  }
0x96: {  	_ =	strace s2  }
0x97: {  	_ =	strace $0x8FFFFFFF  }
0x98: {  	s18 =	sld [smem:$0x3FDB];
	_ =	sdelay $0x1  }
0x99: {  	s19 =	simm.s32 $_scs_section_size  }
0x9a: {  	s4 =	simm.s32 $_size__tile_overlayer_lowered;
	s5 =	simm.s32 $_tile_overlayer_lowered  }
0x9b: {  	s22 =	simm.s32 $0x1BFF;
	s21 =	sshll.u32 s5, $0x1;
	s2 =	sadd.s32 s19, s18  }
0x9c: {  	s6 =	simm.s32 $0x0;
	s20 =	sshll.u32 s4, $0x1;
	s4 =	sadd.s32 s21, s2  }
0x9d: {  	[timem:s6], [sflag:s22] =	dma.local [hbm:s4], s20  }
0x9e: {  	_ =	swait.ge [sflag:s22], s20  }
0x9f: {  	s3 =	ssub.s32 $0x0, s20;
	[sflag:s22] =	ssyncset.done $0x0  }
0xa0: {  	[sflag:s22] =	ssyncadd.s32 s3;
	_ =	sdelay $0x1  }
0xa1: {  	s23 =	simm.s32 $0x1B8B  }
0xa2: {  	_ =	swait.ge [sflag:s23], $0x1  }
0xa3: {  	[sflag:s23] =	ssyncset.done $0x0  }
0xa4: {  	s25 =	simm.s32 $0x1B8E;
	s24 =	sld [smem:$0x3FFE];
	[sflag:s23] =	ssyncadd.s32 $0xFFFFFFFF  }
0xa5: {  	s26 =	simm.s32 $execute0_lowered;
	[smem:$0x3FD2] =	sst s25  }
0xa6: {  	s4 =	sshll.u32 s26, $0x1;
	_ =	strace $0x8000004C;
	[dreg:$0x1] =	wrdreg $0xFFFFFFFF  }
0xa7: {  	s28 =	simm.s32 $_size_execute0_lowered;
	s2 =	sadd.s32 s2, s4;
	[dreg:$0x0] =	wrdreg $0x0  }
0xa8: {  	s4 =	sshll.u32 s28, $0x1;
	[dreg:$0x2] =	wrdreg s2  }
0xa9: {  	[dreg:$0x3] =	wrdreg s4  }
0xaa: {  	[dreg:$0x4] =	wrdreg $0xC0  }
0xab: {  	_ =	task [dreg:s6], $0x5FFFF  }
0xac: {  	[dreg:$0x1] =	wrdreg $0xFFFFFFFF  }
0xad: {  	[dreg:$0x0] =	wrdreg $0x60  }
0xae: {  	[dreg:$0x2] =	wrdreg s24  }
0xaf: {  	[dreg:$0x3] =	wrdreg $0xA8000  }
0xb0: {  	[dreg:$0x4] =	wrdreg $0x9  }
0xb1: {  	_ =	task.clear_ibuf [dreg:s6], $0x5FFFF;
	_ =	strace $0x9000004C  }
0xb2: {  	s29 =	simm.s32 $0x9;
	_ =	strace $0x8000004E  }
0xb3: {  	_ =	swait.ge [sflag:s29], $0x1  }
0xb4: {  	[sflag:s29] =	ssyncadd.s32 $0xFFFFFFFF  }
0xb5: {  	_ =	strace $0x9000004E  }
0xb6: {  	_ =	sfence  }
0xb7: {  	s30 =	sld [smem:$0x0];
	_ =	sdelay $0x2  }
0xb8: {  	s31 =	sshll.u32 s1, $0xD;
	s1 =	sshrl.u32 s1, $0x2  }
0xb9: {  	s3 =	sand.u32 $0x4000, s31;
	s1 =	sadd.s32 s1, s30  }
0xba: {  	s0 =	sor.u32 s3, s0;
	s1 =	sshll.u32 s1, $0x11  }
0xbb: {  	s0 =	sor.u32 s1, s0  }
0xbc: {  	s0 =	sadd.s32 $0x8F2B, s0  }
0xbd: {  	[sflag:s0] =	ssyncadd.remote.s32 $0x1  }
0xbe: {  	_ =	sfence.sel $0xFFFF  }
0xbf: {  	[dreg:$0x0] =	wrdreg $0xFFFFFFFF;
	(pc) =	sbr.abs _section_cstart, $3  }
0xc0: {  	[dreg:$0x1] =	wrdreg $0xFFFFFFFF  }
0xc1: {  	_ =	task.clear_ibuf [dreg:s6], $0x2FFFF;
	_ =	strace $0x9FFFFFFF  }
0xc2: {  	(tm) =	ssettm $0x7FFFFFFF  }
0xc3: {  	_ =	shalt  }
tec
execute0_lowered:
.L_overlay_start_1:
0x0: {  	(tag) =	ssettag $0x1  }
0x1: {  	s5 =	rddreg [dreg:$0x0]  }
0x2: {  	s2 =	rddreg [dreg:$0x1]  }
0x3: {  	s0 =	rddreg [dreg:$0x2]  }
0x4: {  	s4 =	srdreg.scid;
	s1 =	stileid.u32  }
0x5: {  	s3 =	simm.s32 $0x0;
	s15 =	simm.s32 $0x2800;
	s18 =	simm.s32 $0x6800  }
0x6: {  	s19 =	simm.s32 $0x1;
	s20 =	simm.s32 $0x2;
	s21 =	simm.s32 $0x1380  }
0x7: {  	s22 =	simm.s32 $0x2700;
	s23 =	simm.s32 $0x2780;
	s24 =	simm.s32 $0x0  }
0x8: {  	s6 =	sand.u32 $0x1, s4;
	s7 =	smul.u32 $0x14000, s1;
	[smem:$0x7FF] =	sst s3  }
0x9: {  	s9 =	sshll.u32 s1, $0x1;
	s4 =	sadd.s32 $0xE600, s5;
	s10 =	sadd.s32 $0x61600, s5  }
0xa: {  	s11 =	sadd.s32 $0x4600, s5;
	s13 =	smul.u32 $0x50000, s1;
	s16 =	sshll.u32 s1, $0x6  }
0xb: {  	s8 =	smul.u32 $0x140000, s6;
	_ =	strace $0x8000004D;
	s9 =	sor.u32 s6, s9  }
0xc: {  	s6 =	ssub.s32 $0x2, s6;
	s16 =	sor.u32 $0x1C03, s16;
	s9 =	smul.u32 $0x2800, s9  }
0xd: {  	s12 =	sshrl.u32 s6, $0x1;
	s31 =	sshrl.u32 s13, $0x2;
	s13 =	simm.s32 $0x1400  }
0xe: {  	s8 =	sadd.s32 s7, s8;
	s12 =	ssub.s32 s6, s12;
	s7 =	sshrl.u32 s7, $0x3  }
0xf: {  	s17 =	sadd.s32 s31, s2;
	s8 =	sshrl.u32 s8, $0x3;
	s9 =	sshrl.u32 s9, $0x3  }
0x10: {  	s7 =	sadd.s32 s4, s7;
	s17 =	sshrl.u32 s17, $0x3;
	s14 =	sadd.s32 s8, s5  }
0x11: {  	s5 =	sadd.s32 s10, s9;
	s6 =	sadd.s32 s11, s9;
	s9 =	sadd.s32 $0x280, s9  }
0x12: {  	s8 =	sadd.s32 s10, s9;
	s9 =	sadd.s32 s11, s9;
	s10 =	sadd.s32 $0x6B600, s14  }
0x13: {  	s11 =	smax.u32 s12, $0x1;
	s12 =	simm.s32 $0x3;
	s14 =	simm.s32 $0x7D  }
.LBB2_1:
0x14: {  	[tilespmem:s3], [sflag:$0x3] =	stream.linear.gather [hbm4b:s5+s3], $0x1400, $0x38;
	[tilespmem:$0x1E800] =	vst v63  }
0x15: {  	_ =	swait.ge [sflag:s12], $0x1400  }
0x16: {  	[sflag:s12] =	ssyncset.done $0x0  }
0x17: {  	[sflag:s12] =	ssyncadd.s32 $0xFFFFEC00  }
0x18: {  	[tilespmem:s13], [sflag:$0x3] =	stream.linear.gather [hbm4b:s6+s3], $0x1400, $0x38;
	[tilespmem:$0x1E800] =	vst v63  }
0x19: {  	_ =	swait.ge [sflag:s12], $0x1400  }
0x1a: {  	[sflag:s12] =	ssyncset.done $0x0  }
0x1b: {  	[sflag:s12] =	ssyncadd.s32 $0xFFFFEC00  }
0x1c: {  	[tilespmem:s15], [sflag:$0x1] =	stream.indirect.gather [hbm4b:s4+s14], $0x80, s3, s14, $0xb8;
	[tilespmem:$0x1E800] =	vst v63  }
0x1d: {  	[spmem:s17], [sflag:s16] =	dma.local [hbm:s7], $0x2800  }
0x1e: {  	_ =	swait.ge [sflag:s12], $0x2800  }
0x1f: {  	[sflag:s12] =	ssyncset.done $0x0  }
0x20: {  	[sflag:s12] =	ssyncadd.s32 $0xFFFFD800  }
0x21: {  	s25 =	simm.s32 $0x80;
	[bflag:$0x0] =	sbarrier.arrive $0xFFFF  }
0x22: {  	[tilespmem:s18], [sflag:$0x2] =	stream.indirect.gather [hbm4b:s4+s14], $0x80, s25, s14, $0xb8;
	[tilespmem:$0x1E800] =	vst v63  }
0x23: {  	_ =	swait.ge [sflag:s19], $0x3E80  }
0x24: {  	[sflag:s19] =	ssyncset.done $0x0  }
0x25: {  	s29 =	simm.s32 $0x1400;
	[sflag:s19] =	ssyncadd.s32 $0xFFFFC180  }
0x26: {  	[spmem:s2] =	stream.indirect.scatter.add.f32 [tilespmem:s15], [sflag:$0x3], $0x80, s29, s14, $0xb8;
	[tilespmem:$0x1E800] =	vst v63  }
0x27: {  	_ =	swait.ge [sflag:s12], $0x3E80  }
0x28: {  	[sflag:s12] =	ssyncset.done $0x0  }
0x29: {  	s30 =	simm.s32 $0x100;
	[sflag:s12] =	ssyncadd.s32 $0xFFFFC180  }
0x2a: {  	[tilespmem:s15], [sflag:$0x1] =	stream.indirect.gather [hbm4b:s4+s14], $0x80, s30, s14, $0xb8;
	[tilespmem:$0x1E800] =	vst v63  }
0x2b: {  	_ =	swait.ge [sflag:s20], $0x3E80  }
0x2c: {  	[sflag:s20] =	ssyncset.done $0x0  }
0x2d: {  	s31 =	simm.s32 $0x1480;
	[sflag:s20] =	ssyncadd.s32 $0xFFFFC180  }
0x2e: {  	[spmem:s2] =	stream.indirect.scatter.add.f32 [tilespmem:s18], [sflag:$0x3], $0x80, s31, s14, $0xb8;
	[tilespmem:$0x1E800] =	vst v63  }
0x2f: {  	_ =	swait.ge [sflag:s12], $0x3E80  }
0x30: {  	s26 =	simm.s32 $0x800;
	s25 =	simm.s32 $0x100;
	[sflag:s12] =	ssyncset.done $0x0  }
.LBB2_2:
0x31: {  	s28 =	sadd.s32 $0x80, s25  }
0x32: {  	[sflag:s12] =	ssyncadd.s32 $0xFFFFC180;
	s29 =	smov.u32 s26;
	s30 =	sadd.s32 $0x400, s26  }
0x33: {  	[tilespmem:s18], [sflag:$0x2] =	stream.indirect.gather [hbm4b:s4+s14], $0x80, s28, s14, $0xb8;
	[tilespmem:$0x1E800] =	vst v63  }
0x34: {  	p0 =	sne.s32 s26, $0x4800;
	_ =	swait.ge [sflag:s19], $0x3E80  }
0x35: {  	[sflag:s19] =	ssyncset.done $0x0  }
0x36: {  	s26 =	sadd.s32 $0x1400, s25;
	[sflag:s19] =	ssyncadd.s32 $0xFFFFC180  }
0x37: {  	[spmem:s2] =	stream.indirect.scatter.add.f32 [tilespmem:s15], [sflag:$0x3], $0x80, s26, s14, $0xb8;
	[tilespmem:$0x1E800] =	vst v63  }
0x38: {  	_ =	swait.ge [sflag:s12], $0x3E80  }
0x39: {  	[sflag:s12] =	ssyncset.done $0x0  }
0x3a: {  	s26 =	sadd.s32 $0x100, s25;
	[sflag:s12] =	ssyncadd.s32 $0xFFFFC180  }
0x3b: {  	[tilespmem:s15], [sflag:$0x1] =	stream.indirect.gather [hbm4b:s4+s14], $0x80, s26, s14, $0xb8;
	[tilespmem:$0x1E800] =	vst v63  }
0x3c: {  	_ =	swait.ge [sflag:s20], $0x3E80  }
.Ltmp0:
0x3d: {  	[sflag:s20] =	ssyncset.done $0x0;
	(pc) =	sbr.rel @p0 .LBB2_2-.Ltmp0, $4  }
0x3e: {  	s25 =	sadd.s32 $0x1480, s25;
	[sflag:s20] =	ssyncadd.s32 $0xFFFFC180  }
0x3f: {  	[spmem:s2] =	stream.indirect.scatter.add.f32 [tilespmem:s18], [sflag:$0x3], $0x80, s25, s14, $0xb8;
	[tilespmem:$0x1E800] =	vst v63  }
0x40: {  	_ =	swait.ge [sflag:s12], $0x3E80  }
0x41: {  	s26 =	smov.u32 s30;
	s25 =	sshra.s32 s29, $0x2;
	[sflag:s12] =	ssyncset.done $0x0  }
0x42: {  	s26 =	sadd.s32 $0x80, s25;
	[sflag:s12] =	ssyncadd.s32 $0xFFFFC180  }
0x43: {  	[tilespmem:s18], [sflag:$0x2] =	stream.indirect.gather [hbm4b:s4+s14], $0x80, s26, s14, $0xb8;
	[tilespmem:$0x1E800] =	vst v63  }
0x44: {  	_ =	swait.ge [sflag:s19], $0x3E80  }
0x45: {  	[sflag:s19] =	ssyncset.done $0x0  }
0x46: {  	s29 =	sadd.s32 $0x1400, s25;
	[sflag:s19] =	ssyncadd.s32 $0xFFFFC180  }
0x47: {  	[spmem:s2] =	stream.indirect.scatter.add.f32 [tilespmem:s15], [sflag:$0x3], $0x80, s29, s14, $0xb8;
	[tilespmem:$0x1E800] =	vst v63  }
0x48: {  	_ =	swait.ge [sflag:s12], $0x3E80  }
0x49: {  	[sflag:s12] =	ssyncset.done $0x0  }
0x4a: {  	s30 =	sadd.s32 $0x100, s25;
	[sflag:s12] =	ssyncadd.s32 $0xFFFFC180  }
0x4b: {  	[tilespmem:s15], [sflag:$0x1] =	stream.indirect.gather [hbm4b:s4+s14], $0x80, s30, s14, $0xb8;
	[tilespmem:$0x1E800] =	vst v63  }
0x4c: {  	_ =	swait.ge [sflag:s20], $0x3E80  }
0x4d: {  	[sflag:s20] =	ssyncset.done $0x0  }
0x4e: {  	s31 =	sadd.s32 $0x1480, s25;
	[sflag:s20] =	ssyncadd.s32 $0xFFFFC180  }
0x4f: {  	[spmem:s2] =	stream.indirect.scatter.add.f32 [tilespmem:s18], [sflag:$0x3], $0x80, s31, s14, $0xb8;
	[tilespmem:$0x1E800] =	vst v63  }
0x50: {  	_ =	swait.ge [sflag:s12], $0x3E80  }
0x51: {  	[sflag:s12] =	ssyncset.done $0x0  }
0x52: {  	[sflag:s12] =	ssyncadd.s32 $0xFFFFC180  }
0x53: {  	[tilespmem:s18], [sflag:$0x2] =	stream.indirect.gather [hbm4b:s4+s14], $0x80, s21, s14, $0xb8;
	[tilespmem:$0x1E800] =	vst v63  }
0x54: {  	_ =	swait.ge [sflag:s19], $0x3E80  }
0x55: {  	[sflag:s19] =	ssyncset.done $0x0  }
0x56: {  	[sflag:s19] =	ssyncadd.s32 $0xFFFFC180  }
0x57: {  	[spmem:s2] =	stream.indirect.scatter.add.f32 [tilespmem:s15], [sflag:$0x3], $0x80, s22, s14, $0xb8;
	[tilespmem:$0x1E800] =	vst v63  }
0x58: {  	_ =	swait.ge [sflag:s12], $0x3E80  }
0x59: {  	[sflag:s12] =	ssyncset.done $0x0  }
0x5a: {  	[sflag:s12] =	ssyncadd.s32 $0xFFFFC180  }
0x5b: {  	_ =	swait.ge [sflag:s20], $0x3E80  }
0x5c: {  	[sflag:s20] =	ssyncset.done $0x0  }
0x5d: {  	[sflag:s20] =	ssyncadd.s32 $0xFFFFC180  }
0x5e: {  	[spmem:s2] =	stream.indirect.scatter.add.f32 [tilespmem:s18], [sflag:$0x3], $0x80, s23, s14, $0xb8;
	[tilespmem:$0x1E800] =	vst v63  }
0x5f: {  	_ =	swait.ge [sflag:s12], $0x3E80  }
0x60: {  	[sflag:s12] =	ssyncset.done $0x0  }
0x61: {  	s26 =	simm.s32 $0x0;
	[sflag:s12] =	ssyncadd.s32 $0xFFFFC180  }
0x62: {  	[tilespmem:s26], [sflag:$0x3] =	stream.linear.gather [hbm4b:s8+s26], $0x1400, $0x38;
	[tilespmem:$0x1E800] =	vst v63  }
0x63: {  	_ =	swait.ge [sflag:s12], $0x1400  }
0x64: {  	[sflag:s12] =	ssyncset.done $0x0  }
0x65: {  	[sflag:s12] =	ssyncadd.s32 $0xFFFFEC00  }
0x66: {  	[tilespmem:s13], [sflag:$0x3] =	stream.linear.gather [hbm4b:s9+s26], $0x1400, $0x38;
	[tilespmem:$0x1E800] =	vst v63  }
0x67: {  	_ =	swait.ge [sflag:s12], $0x1400  }
0x68: {  	[sflag:s12] =	ssyncset.done $0x0  }
0x69: {  	[sflag:s12] =	ssyncadd.s32 $0xFFFFEC00  }
0x6a: {  	[tilespmem:s15], [sflag:$0x1] =	stream.indirect.gather [hbm4b:s4+s14], $0x80, s26, s14, $0xb8;
	[tilespmem:$0x1E800] =	vst v63  }
0x6b: {  	s28 =	simm.s32 $0x80  }
0x6c: {  	[tilespmem:s18], [sflag:$0x2] =	stream.indirect.gather [hbm4b:s4+s14], $0x80, s28, s14, $0xb8;
	[tilespmem:$0x1E800] =	vst v63  }
0x6d: {  	_ =	swait.ge [sflag:s19], $0x3E80  }
0x6e: {  	[sflag:s19] =	ssyncset.done $0x0  }
0x6f: {  	s29 =	simm.s32 $0x1400;
	[sflag:s19] =	ssyncadd.s32 $0xFFFFC180  }
0x70: {  	[spmem:s2] =	stream.indirect.scatter.add.f32 [tilespmem:s15], [sflag:$0x3], $0x80, s29, s14, $0xb8;
	[tilespmem:$0x1E800] =	vst v63  }
0x71: {  	_ =	swait.ge [sflag:s12], $0x3E80  }
0x72: {  	[sflag:s12] =	ssyncset.done $0x0  }
0x73: {  	s30 =	simm.s32 $0x100;
	[sflag:s12] =	ssyncadd.s32 $0xFFFFC180  }
0x74: {  	[tilespmem:s15], [sflag:$0x1] =	stream.indirect.gather [hbm4b:s4+s14], $0x80, s30, s14, $0xb8;
	[tilespmem:$0x1E800] =	vst v63  }
0x75: {  	_ =	swait.ge [sflag:s20], $0x3E80  }
0x76: {  	[sflag:s20] =	ssyncset.done $0x0  }
0x77: {  	s31 =	simm.s32 $0x1480;
	[sflag:s20] =	ssyncadd.s32 $0xFFFFC180  }
0x78: {  	[spmem:s2] =	stream.indirect.scatter.add.f32 [tilespmem:s18], [sflag:$0x3], $0x80, s31, s14, $0xb8;
	[tilespmem:$0x1E800] =	vst v63  }
0x79: {  	_ =	swait.ge [sflag:s12], $0x3E80  }
0x7a: {  	s25 =	simm.s32 $0x100;
	s26 =	simm.s32 $0x800;
	[sflag:s12] =	ssyncset.done $0x0  }
.LBB2_4:
0x7b: {  	s28 =	sadd.s32 $0x80, s25  }
0x7c: {  	[sflag:s12] =	ssyncadd.s32 $0xFFFFC180;
	s29 =	smov.u32 s26;
	s30 =	sadd.s32 $0x400, s26  }
0x7d: {  	[tilespmem:s18], [sflag:$0x2] =	stream.indirect.gather [hbm4b:s4+s14], $0x80, s28, s14, $0xb8;
	[tilespmem:$0x1E800] =	vst v63  }
0x7e: {  	p0 =	sne.s32 s26, $0x4800;
	_ =	swait.ge [sflag:s19], $0x3E80  }
0x7f: {  	[sflag:s19] =	ssyncset.done $0x0  }
0x80: {  	s26 =	sadd.s32 $0x1400, s25;
	[sflag:s19] =	ssyncadd.s32 $0xFFFFC180  }
0x81: {  	[spmem:s2] =	stream.indirect.scatter.add.f32 [tilespmem:s15], [sflag:$0x3], $0x80, s26, s14, $0xb8;
	[tilespmem:$0x1E800] =	vst v63  }
0x82: {  	_ =	swait.ge [sflag:s12], $0x3E80  }
0x83: {  	[sflag:s12] =	ssyncset.done $0x0  }
0x84: {  	s26 =	sadd.s32 $0x100, s25;
	[sflag:s12] =	ssyncadd.s32 $0xFFFFC180  }
0x85: {  	[tilespmem:s15], [sflag:$0x1] =	stream.indirect.gather [hbm4b:s4+s14], $0x80, s26, s14, $0xb8;
	[tilespmem:$0x1E800] =	vst v63  }
0x86: {  	_ =	swait.ge [sflag:s20], $0x3E80  }
.Ltmp1:
0x87: {  	[sflag:s20] =	ssyncset.done $0x0;
	(pc) =	sbr.rel @p0 .LBB2_4-.Ltmp1, $4  }
0x88: {  	s25 =	sadd.s32 $0x1480, s25;
	[sflag:s20] =	ssyncadd.s32 $0xFFFFC180  }
0x89: {  	[spmem:s2] =	stream.indirect.scatter.add.f32 [tilespmem:s18], [sflag:$0x3], $0x80, s25, s14, $0xb8;
	[tilespmem:$0x1E800] =	vst v63  }
0x8a: {  	_ =	swait.ge [sflag:s12], $0x3E80  }
0x8b: {  	s26 =	smov.u32 s30;
	s25 =	sshra.s32 s29, $0x2;
	[sflag:s12] =	ssyncset.done $0x0  }
0x8c: {  	s26 =	sadd.s32 $0x80, s25;
	[sflag:s12] =	ssyncadd.s32 $0xFFFFC180  }
0x8d: {  	[tilespmem:s18], [sflag:$0x2] =	stream.indirect.gather [hbm4b:s4+s14], $0x80, s26, s14, $0xb8;
	[tilespmem:$0x1E800] =	vst v63  }
0x8e: {  	_ =	swait.ge [sflag:s19], $0x3E80  }
0x8f: {  	[sflag:s19] =	ssyncset.done $0x0  }
0x90: {  	s29 =	sadd.s32 $0x1400, s25;
	[sflag:s19] =	ssyncadd.s32 $0xFFFFC180  }
0x91: {  	[spmem:s2] =	stream.indirect.scatter.add.f32 [tilespmem:s15], [sflag:$0x3], $0x80, s29, s14, $0xb8;
	[tilespmem:$0x1E800] =	vst v63  }
0x92: {  	_ =	swait.ge [sflag:s12], $0x3E80  }
0x93: {  	[sflag:s12] =	ssyncset.done $0x0  }
0x94: {  	s30 =	sadd.s32 $0x100, s25;
	[sflag:s12] =	ssyncadd.s32 $0xFFFFC180  }
0x95: {  	[tilespmem:s15], [sflag:$0x1] =	stream.indirect.gather [hbm4b:s4+s14], $0x80, s30, s14, $0xb8;
	[tilespmem:$0x1E800] =	vst v63  }
0x96: {  	_ =	swait.ge [sflag:s20], $0x3E80  }
0x97: {  	[sflag:s20] =	ssyncset.done $0x0  }
0x98: {  	s31 =	sadd.s32 $0x1480, s25;
	[sflag:s20] =	ssyncadd.s32 $0xFFFFC180  }
0x99: {  	[spmem:s2] =	stream.indirect.scatter.add.f32 [tilespmem:s18], [sflag:$0x3], $0x80, s31, s14, $0xb8;
	[tilespmem:$0x1E800] =	vst v63  }
0x9a: {  	_ =	swait.ge [sflag:s12], $0x3E80  }
0x9b: {  	[sflag:s12] =	ssyncset.done $0x0  }
0x9c: {  	[sflag:s12] =	ssyncadd.s32 $0xFFFFC180  }
0x9d: {  	[tilespmem:s18], [sflag:$0x2] =	stream.indirect.gather [hbm4b:s4+s14], $0x80, s21, s14, $0xb8;
	[tilespmem:$0x1E800] =	vst v63  }
0x9e: {  	_ =	swait.ge [sflag:s19], $0x3E80  }
0x9f: {  	[sflag:s19] =	ssyncset.done $0x0  }
0xa0: {  	[sflag:s19] =	ssyncadd.s32 $0xFFFFC180  }
0xa1: {  	[spmem:s2] =	stream.indirect.scatter.add.f32 [tilespmem:s15], [sflag:$0x3], $0x80, s22, s14, $0xb8;
	[tilespmem:$0x1E800] =	vst v63  }
0xa2: {  	_ =	swait.ge [sflag:s12], $0x3E80  }
0xa3: {  	[sflag:s12] =	ssyncset.done $0x0  }
0xa4: {  	[sflag:s12] =	ssyncadd.s32 $0xFFFFC180  }
0xa5: {  	_ =	swait.ge [sflag:s20], $0x3E80  }
0xa6: {  	[sflag:s20] =	ssyncset.done $0x0  }
0xa7: {  	[sflag:s20] =	ssyncadd.s32 $0xFFFFC180  }
0xa8: {  	[spmem:s2] =	stream.indirect.scatter.add.f32 [tilespmem:s18], [sflag:$0x3], $0x80, s23, s14, $0xb8;
	[tilespmem:$0x1E800] =	vst v63  }
0xa9: {  	_ =	swait.ge [sflag:s12], $0x3E80  }
0xaa: {  	s24 =	sadd.s32 $0x1, s24;
	[sflag:s12] =	ssyncset.done $0x0  }
0xab: {  	p0 =	sne.s32 s24, s11;
	[sflag:s12] =	ssyncadd.s32 $0xFFFFC180  }
.Ltmp2:
0xac: {  	[bflag:$0x0] =	sbarrier.arrive $0xFFFF;
	(pc) =	sbr.rel @p0 .LBB2_1-.Ltmp2, $4  }
0xad: {  	[hbm:s10], [sflag:s16] =	dma.local [spmem:s17], $0x2800  }
0xae: {  	_ =	swait.ge [sflag:s12], $0x2800  }
0xaf: {  	[sflag:s12] =	ssyncset.done $0x0  }
0xb0: {  	[sflag:s12] =	ssyncadd.s32 $0xFFFFD800  }
0xb1: {  	_ =	sfence.sel $0x180000  }
0xb2: {  	[bflag:$0x0] =	sbarrier.arrive $0xFFFF  }
0xb3: {  	p0 =	sne.s32 s1, $0x0;
	_ =	strace $0x9000004D  }
0xb4: {  	s0 =	sadd.s32 @!p0 $0x100000, s0;
	[bflag:$0x2] =	sbarrier.arrive $0xFFFF  }
0xb5: {  	[sflag:s0] =	ssyncadd.tile.s32 @!p0 $0x1;
	_ =	shalt  }
.Lfunc_end2:
_tile_overlayer_lowered:
.L_overlay_start_2:
0xb6: {  	(tag) =	ssettag $0x2  }
0xb7: {  	s0 =	rddreg [dreg:$0x0];
	s2 =	stileid.u32  }
0xb8: {  	s1 =	rddreg [dreg:$0x1];
	p0 =	sne.s32 s2, $0x0  }
0xb9: {  	s3 =	rddreg [dreg:$0x2];
	[bflag:$0x3] =	sbarrier.arrive $0xFFFF;
	s2 =	simm.s32 @!p0 $0x1C03  }
0xba: {  	[timem:s3], [sflag:s2] =	dma.local @!p0 [hbm:s0], s1  }
0xbb: {  	s0 =	simm.s32 @!p0 $0x3  }
0xbc: {  	_ =	swait.ge @!p0 [sflag:s0], s1  }
0xbd: {  	s1 =	ssub.s32 @!p0 $0x0, s1;
	[sflag:s0] =	ssyncset.done @!p0 $0x0  }
0xbe: {  	[sflag:s0] =	ssyncadd.s32 @!p0 s1  }
0xbf: {  	[bflag:$0x3] =	sbarrier.arrive $0xFFFF  }
0xc0: {  	_ =	shalt  }

// kernel: kernel.8.cloned.1.call-start
scs
__scs_entry_jumppad:
0x0: {  	(pc) =	sbr.rel $0x88, $3  }
0x1: {  	(tag) =	ssettag $0x0;
	lr =	simm.s32 $0x1  }
0x2: {  	[smem:$0x3F98] =	sst lr;
	_ =	strace $0xD0000000  }
0x3: {  	_ = 	snop  }
0x4: {  	_ = 	snop  }
0x5: {  	_ = 	snop  }
0x6: {  	_ = 	snop  }
0x7: {  	_ = 	snop  }
__scs_overlays_trampoline_lowered:
0x8: {  	[smem:$0x3FA7] =	sst s0  }
0x9: {  	[smem:$0x3FA8] =	sst s1  }
0xa: {  	[smem:$0x3FA9] =	sst s2  }
0xb: {  	[smem:$0x3FAA] =	sst s3  }
0xc: {  	[smem:$0x3FAB] =	sst s4  }
0xd: {  	[smem:$0x3FAC] =	sst s5  }
0xe: {  	[smem:$0x3FAD] =	sst s6  }
0xf: {  	[smem:$0x3FAE] =	sst s7  }
0x10: {  	[smem:$0x3FAF] =	sst s8  }
0x11: {  	[smem:$0x3FB0] =	sst s9;
	s0 =	simm.s32 @!p0 $0x0  }
0x12: {  	s1 =	sld [smem:$0x3F96];
	s0 =	simm.s32 @p0 $0x1  }
0x13: {  	[smem:$0x3FB1] =	sst s0;
	s0 =	simm.s32 @!p1 $0x0  }
0x14: {  	s2 =	sld [smem:$0x3F95];
	s0 =	simm.s32 @p1 $0x1  }
0x15: {  	[smem:$0x3FB2] =	sst s0;
	s0 =	simm.s32 @!p2 $0x0  }
0x16: {  	s3 =	sld [smem:$0x3FDB];
	s0 =	simm.s32 @p2 $0x1  }
0x17: {  	s4 =	simm.s32 $0x1BF5;
	[smem:$0x3FB4] =	sst s0  }
0x18: {  	s0 =	sld [smem:$0x3F97];
	_ =	swait.ge [sflag:s4], $0x0  }
0x19: {  	s7 =	sld [smem:$0x3F98]  }
0x1a: {  	s8 =	sadd.s32 $0xFFFFE003, lr  }
0x1b: {  	s9 =	sadd.s32 $0xFFFFFEF7, lr;
	s5 =	simm.s32 $0xFFFFFFFF;
	p2 =	slt.u32 s8, $0xFFFFF086  }
0x1c: {  	p1 =	slt.u32 s9, $0xF7A;
	s5 =	simm.s32 @!p2 $0x0  }
0x1d: {  	s5 =	simm.s32 @p1 $0x1;
	p0 =	seq.s32 s7, s2  }
0x1e: {  	s7 =	smul.u32 @!p0 $0xF7A, s2;
	p2 =	seq.s32 @!p0 s5, $0x0  }
0x1f: {  	s9 =	smul.u32 $0xF7A, s1;
	s8 =	simm.s32 @!p0 $0x1BF5;
	p2 =	por !p2, p0  }
0x20: {  	[sflag:s8] =	ssyncset.s32 @!p0 $0xFFFFF086;
	s6 =	sadd.s32 @!p0 s3, s7;
	s7 =	simm.s32 @!p0 $0x108  }
0x21: {  	s3 =	sadd.s32 s3, s9;
	s6 =	sadd.s32 @!p0 $0x88, s6;
	s7 =	simm.s32 @p2 $0x1082  }
0x22: {  	[simem:s7], [sflag:s8] =	dma.local @!p0 [hbm:s6], $0xF7A  }
0x23: {  	s9 =	sor.u32 $0xD0000000, s2;
	s6 =	simm.s32 $0x108;
	_ =	swait.ge @!p0 [sflag:s8], $0x0  }
0x24: {  	s3 =	sadd.s32 $0x88, s3;
	s6 =	simm.s32 @!p1 $0x1082;
	[sflag:s4] =	ssyncset.s32 $0xFFFFF086  }
0x25: {  	[simem:s6], [sflag:s4] =	dma.local [hbm:s3], $0xF7A  }
0x26: {  	[smem:$0x3F98] =	sst s1;
	(tag) =	ssettag s2;
	_ =	strace s9  }
0x27: {  	s1 =	sld [smem:$0x3FA8]  }
0x28: {  	s2 =	sld [smem:$0x3FA9]  }
0x29: {  	s4 =	sld [smem:$0x3FAB]  }
0x2a: {  	p0 =	seq.s32 s5, $0x0;
	s5 =	sld [smem:$0x3FAC]  }
0x2b: {  	s6 =	sld [smem:$0x3FAD]  }
0x2c: {  	s7 =	sld [smem:$0x3FAE]  }
0x2d: {  	s3 =	simm.s32 $0x108;
	s8 =	sld [smem:$0x3FAF]  }
0x2e: {  	s3 =	simm.s32 @!p0 $0x1082;
	s9 =	sld [smem:$0x3FB0]  }
0x2f: {  	lr =	sadd.s32 s0, s3;
	s0 =	sld [smem:$0x3FA7]  }
0x30: {  	s3 =	sld [smem:$0x3FAA]  }
0x31: {  	[smem:$0x3FB3] =	sst s10  }
0x32: {  	s10 =	sld [smem:$0x3FB1];
	_ =	sdelay $0x3  }
0x33: {  	p0 =	seq.s32 s10, $0x1;
	s10 =	sld [smem:$0x3FB3];
	_ =	sdelay $0x3  }
0x34: {  	[smem:$0x3FB3] =	sst s10  }
0x35: {  	s10 =	sld [smem:$0x3FB2];
	_ =	sdelay $0x3  }
0x36: {  	p1 =	seq.s32 s10, $0x1;
	s10 =	sld [smem:$0x3FB3];
	_ =	sdelay $0x3  }
0x37: {  	[smem:$0x3FB3] =	sst s10  }
0x38: {  	s10 =	sld [smem:$0x3FB4]  }
0x39: {  	_ = 	snop;
	(pc) =	sbr.ind lr, $3  }
0x3a: {  	_ = 	snop  }
0x3b: {  	_ = 	snop  }
0x3c: {  	p2 =	seq.s32 s10, $0x1;
	s10 =	sld [smem:$0x3FB3]  }
0x3d: {  	_ =	shalt  }
0x3e: {  	_ =	shalt  }
0x3f: {  	_ =	shalt  }
0x40: {  	_ =	shalt  }
0x41: {  	_ =	shalt  }
0x42: {  	_ =	shalt  }
0x43: {  	_ =	shalt  }
0x44: {  	_ =	shalt  }
0x45: {  	_ =	shalt  }
0x46: {  	_ =	shalt  }
0x47: {  	_ =	shalt  }
0x48: {  	_ =	shalt  }
0x49: {  	_ =	shalt  }
0x4a: {  	_ =	shalt  }
0x4b: {  	_ =	shalt  }
0x4c: {  	_ =	shalt  }
0x4d: {  	_ =	shalt  }
0x4e: {  	_ =	shalt  }
0x4f: {  	_ =	shalt  }
0x50: {  	_ =	shalt  }
0x51: {  	_ =	shalt  }
0x52: {  	_ =	shalt  }
0x53: {  	_ =	shalt  }
0x54: {  	_ =	shalt  }
0x55: {  	_ =	shalt  }
0x56: {  	_ =	shalt  }
0x57: {  	_ =	shalt  }
0x58: {  	_ =	shalt  }
0x59: {  	_ =	shalt  }
0x5a: {  	_ =	shalt  }
0x5b: {  	_ =	shalt  }
0x5c: {  	_ =	shalt  }
0x5d: {  	_ =	shalt  }
0x5e: {  	_ =	shalt  }
0x5f: {  	_ =	shalt  }
0x60: {  	_ =	shalt  }
0x61: {  	_ =	shalt  }
0x62: {  	_ =	shalt  }
0x63: {  	_ =	shalt  }
0x64: {  	_ =	shalt  }
0x65: {  	_ =	shalt  }
0x66: {  	_ =	shalt  }
0x67: {  	_ =	shalt  }
0x68: {  	_ =	shalt  }
0x69: {  	_ =	shalt  }
0x6a: {  	_ =	shalt  }
0x6b: {  	_ =	shalt  }
0x6c: {  	_ =	shalt  }
0x6d: {  	_ =	shalt  }
0x6e: {  	_ =	shalt  }
0x6f: {  	_ =	shalt  }
0x70: {  	_ =	shalt  }
0x71: {  	_ =	shalt  }
0x72: {  	_ =	shalt  }
0x73: {  	_ =	shalt  }
0x74: {  	_ =	shalt  }
0x75: {  	_ =	shalt  }
0x76: {  	_ =	shalt  }
0x77: {  	_ =	shalt  }
0x78: {  	_ =	shalt  }
0x79: {  	_ =	shalt  }
0x7a: {  	_ =	shalt  }
0x7b: {  	_ =	shalt  }
0x7c: {  	_ =	shalt  }
0x7d: {  	_ =	shalt  }
0x7e: {  	_ =	shalt  }
0x7f: {  	_ =	shalt  }
0x80: {  	_ =	shalt  }
0x81: {  	_ =	shalt  }
0x82: {  	_ =	shalt  }
0x83: {  	_ =	shalt  }
0x84: {  	_ =	shalt  }
0x85: {  	_ =	shalt  }
0x86: {  	_ =	shalt  }
0x87: {  	_ =	shalt  }
.Lfunc_end0:
.L_simem_size_0:
called_computation_lowered:
.L_overlay_start_0:
0x88: {  	s2 =	sld [smem:$0x3FD9]  }
0x89: {  	s3 =	sld [smem:$0x3FFE];
	_ =	sdelay $0x1  }
0x8a: {  	s1 =	srdreg.scid  }
0x8b: {  	s0 =	sand.u32 $0x1, s1  }
0x8c: {  	s16 =	sshll.u32 s0, $0xA;
	s2 =	sadd.s32 s3, s2  }
0x8d: {  	s2 =	sadd.s32 s2, s16  }
0x8e: {  	[smem:$0x3FBF] =	sst s2  }
0x8f: {  	_ = 	snop  }
0x90: {  	(tm) =	ssettm $0x1  }
0x91: {  	s17 =	sld [smem:$0x3FFB];
	_ =	sdelay $0x3  }
0x92: {  	_ =	strace s17  }
0x93: {  	s2 =	sld [smem:$0x3FFC];
	_ =	sdelay $0x3  }
0x94: {  	_ =	strace s2  }
0x95: {  	s2 =	sld [smem:$0x3FFD];
	_ =	sdelay $0x3  }
0x96: {  	_ =	strace s2  }
0x97: {  	_ =	strace $0x8FFFFFFF  }
0x98: {  	s18 =	sld [smem:$0x3FDB];
	_ =	sdelay $0x1  }
0x99: {  	s19 =	simm.s32 $_scs_section_size  }
0x9a: {  	s4 =	simm.s32 $_size__tile_overlayer_lowered;
	s5 =	simm.s32 $_tile_overlayer_lowered  }
0x9b: {  	s22 =	simm.s32 $0x1BFF;
	s21 =	sshll.u32 s5, $0x1;
	s2 =	sadd.s32 s19, s18  }
0x9c: {  	s6 =	simm.s32 $0x0;
	s20 =	sshll.u32 s4, $0x1;
	s4 =	sadd.s32 s21, s2  }
0x9d: {  	[timem:s6], [sflag:s22] =	dma.local [hbm:s4], s20  }
0x9e: {  	_ =	swait.ge [sflag:s22], s20  }
0x9f: {  	s3 =	ssub.s32 $0x0, s20;
	[sflag:s22] =	ssyncset.done $0x0  }
0xa0: {  	[sflag:s22] =	ssyncadd.s32 s3;
	_ =	sdelay $0x1  }
0xa1: {  	s23 =	simm.s32 $0x1B8B  }
0xa2: {  	_ =	swait.ge [sflag:s23], $0x1  }
0xa3: {  	[sflag:s23] =	ssyncset.done $0x0  }
0xa4: {  	s25 =	simm.s32 $0x1B8E;
	s24 =	sld [smem:$0x3FFE];
	[sflag:s23] =	ssyncadd.s32 $0xFFFFFFFF  }
0xa5: {  	s26 =	simm.s32 $execute0_lowered;
	[smem:$0x3FD2] =	sst s25  }
0xa6: {  	s4 =	sshll.u32 s26, $0x1;
	_ =	strace $0x80000046;
	[dreg:$0x1] =	wrdreg $0xFFFFFFFF  }
0xa7: {  	s28 =	simm.s32 $_size_execute0_lowered;
	s2 =	sadd.s32 s2, s4;
	[dreg:$0x0] =	wrdreg $0x0  }
0xa8: {  	s4 =	sshll.u32 s28, $0x1;
	[dreg:$0x2] =	wrdreg s2  }
0xa9: {  	[dreg:$0x3] =	wrdreg s4  }
0xaa: {  	[dreg:$0x4] =	wrdreg $0xC0  }
0xab: {  	_ =	task [dreg:s6], $0x5FFFF  }
0xac: {  	[dreg:$0x1] =	wrdreg $0xFFFFFFFF  }
0xad: {  	[dreg:$0x0] =	wrdreg $0x60  }
0xae: {  	[dreg:$0x2] =	wrdreg s24  }
0xaf: {  	[dreg:$0x3] =	wrdreg $0x54000  }
0xb0: {  	[dreg:$0x4] =	wrdreg $0x9  }
0xb1: {  	_ =	task.clear_ibuf [dreg:s6], $0x5FFFF;
	_ =	strace $0x90000046  }
0xb2: {  	s29 =	simm.s32 $0x9;
	_ =	strace $0x80000048  }
0xb3: {  	_ =	swait.ge [sflag:s29], $0x1  }
0xb4: {  	[sflag:s29] =	ssyncadd.s32 $0xFFFFFFFF  }
0xb5: {  	_ =	strace $0x90000048  }
0xb6: {  	_ =	sfence  }
0xb7: {  	s30 =	sld [smem:$0x0];
	_ =	sdelay $0x2  }
0xb8: {  	s31 =	sshll.u32 s1, $0xD;
	s1 =	sshrl.u32 s1, $0x2  }
0xb9: {  	s3 =	sand.u32 $0x4000, s31;
	s1 =	sadd.s32 s1, s30  }
0xba: {  	s0 =	sor.u32 s3, s0;
	s1 =	sshll.u32 s1, $0x11  }
0xbb: {  	s0 =	sor.u32 s1, s0  }
0xbc: {  	s0 =	sadd.s32 $0x8F2B, s0  }
0xbd: {  	[sflag:s0] =	ssyncadd.remote.s32 $0x1  }
0xbe: {  	_ =	sfence.sel $0xFFFF  }
0xbf: {  	[dreg:$0x0] =	wrdreg $0xFFFFFFFF;
	(pc) =	sbr.abs _section_cstart, $3  }
0xc0: {  	[dreg:$0x1] =	wrdreg $0xFFFFFFFF  }
0xc1: {  	_ =	task.clear_ibuf [dreg:s6], $0x2FFFF;
	_ =	strace $0x9FFFFFFF  }
0xc2: {  	(tm) =	ssettm $0x7FFFFFFF  }
0xc3: {  	_ =	shalt  }
tec
execute0_lowered:
.L_overlay_start_1:
0x0: {  	(tag) =	ssettag $0x1  }
0x1: {  	s0 =	srdreg.scid;
	s4 =	rddreg [dreg:$0x0]  }
0x2: {  	s7 =	stileid.u32;
	s2 =	rddreg [dreg:$0x1];
	s3 =	simm.s32 $0x0  }
0x3: {  	s12 =	simm.s32 $0x2;
	s13 =	simm.s32 $0x1400;
	s14 =	simm.s32 $0x7D  }
0x4: {  	s9 =	simm.s32 $0xB80;
	s10 =	simm.s32 $0xC00;
	s15 =	simm.s32 $0xC80  }
0x5: {  	s16 =	simm.s32 $0xD00;
	s17 =	simm.s32 $0xD80;
	s18 =	simm.s32 $0xE00  }
0x6: {  	s19 =	simm.s32 $0xE80;
	s28 =	simm.s32 $0x1280;
	s29 =	simm.s32 $0x1300  }
0x7: {  	s30 =	simm.s32 $0x1380;
	s31 =	simm.s32 $0x1;
	s0 =	sand.u32 $0x1, s0  }
0x8: {  	s1 =	sshll.u32 s7, $0x1;
	[smem:$0x7FF] =	sst s3;
	s6 =	smul.u32 $0x14000, s7  }
0x9: {  	s8 =	sadd.s32 $0xE600, s4;
	s20 =	sadd.s32 $0x10E00, s4;
	s21 =	smul.u32 $0x50000, s7  }
0xa: {  	s24 =	sshll.u32 s7, $0x6;
	s7 =	simm.s32 $0xA80;
	s1 =	sor.u32 s0, s1  }
0xb: {  	s5 =	smul.u32 $0x140000, s0;
	_ =	strace $0x80000047;
	[dreg:$0x3] =	wrdreg s8  }
0xc: {  	[dreg:$0x4] =	wrdreg s20;
	s0 =	ssub.s32 $0x2, s0;
	s8 =	simm.s32 $0xB00  }
0xd: {  	s20 =	simm.s32 $0xF00;
	s1 =	smul.u32 $0x2800, s1;
	s22 =	sshrl.u32 s0, $0x1  }
0xe: {  	s23 =	sshrl.u32 s21, $0x2;
	s21 =	simm.s32 $0xF80;
	s5 =	sadd.s32 s6, s5  }
0xf: {  	s0 =	ssub.s32 s0, s22;
	s6 =	sor.u32 $0x1C02, s24;
	s22 =	simm.s32 $0x1000  }
0x10: {  	s24 =	simm.s32 $0x1100;
	s1 =	sshrl.u32 s1, $0x3;
	s5 =	sshrl.u32 s5, $0x3  }
0x11: {  	s0 =	smax.u32 s0, $0x1;
	s1 =	sadd.s32 s1, s4;
	s4 =	sadd.s32 s5, s4  }
0x12: {  	s5 =	sadd.s32 s23, s2;
	[dreg:$0x6] =	wrdreg s0;
	s4 =	sadd.s32 $0x11600, s4  }
0x13: {  	s23 =	simm.s32 $0x1080;
	s25 =	sadd.s32 $0x4600, s1;
	[dreg:$0x5] =	wrdreg s4  }
0x14: {  	s26 =	sadd.s32 $0x4880, s1;
	s11 =	sshrl.u32 s5, $0x3;
	[dreg:$0x7] =	wrdreg s25  }
0x15: {  	s5 =	simm.s32 $0xA00;
	s1 =	simm.s32 $0x0;
	[dreg:$0x8] =	wrdreg s26  }
0x16: {  	s4 =	simm.s32 $0x980;
	s25 =	simm.s32 $0x1180;
	s26 =	simm.s32 $0x1200  }
.LBB2_1:
0x17: {  	s0 =	rddreg [dreg:$0x3]  }
0x18: {  	[spmem:s11], [sflag:s6] =	dma.local [hbm:s0], $0x2800  }
0x19: {  	_ =	swait.ge [sflag:s12], $0x2800  }
0x1a: {  	[sflag:s12] =	ssyncset.done $0x0  }
0x1b: {  	s0 =	rddreg [dreg:$0x4];
	[sflag:s12] =	ssyncadd.s32 $0xFFFFD800  }
0x1c: {  	[tilespmem:s13], [sflag:$0x2] =	stream.linear.gather [hbm4b:s0+s3], $0x3E80, $0x38;
	[tilespmem:$0xA400] =	vst v63  }
0x1d: {  	_ =	swait.ge [sflag:s12], $0x3E80  }
0x1e: {  	[sflag:s12] =	ssyncset.done $0x0  }
0x1f: {  	[sflag:s12] =	ssyncadd.s32 $0xFFFFC180  }
0x20: {  	[bflag:$0x0] =	sbarrier.arrive $0xFFFF  }
0x21: {  	s0 =	rddreg [dreg:$0x7]  }
0x22: {  	[tilespmem:s3], [sflag:$0x2] =	stream.linear.gather [hbm4b:s0+s3], $0x1400, $0x38;
	[tilespmem:$0xA400] =	vst v63  }
0x23: {  	_ =	swait.ge [sflag:s12], $0x1400  }
0x24: {  	[sflag:s12] =	ssyncset.done $0x0  }
0x25: {  	[sflag:s12] =	ssyncadd.s32 $0xFFFFEC00  }
0x26: {  	[spmem:s2] =	stream.indirect.scatter.add.f32 [tilespmem:s13], [sflag:$0x1], $0x20, s3, s14, $0xb8;
	[tilespmem:$0xA400] =	vst v63  }
0x27: {  	s0 =	simm.s32 $0x80  }
0x28: {  	[spmem:s2] =	stream.indirect.scatter.add.f32 [tilespmem:s13], [sflag:$0x1], $0x20, s0, s14, $0xb8;
	[tilespmem:$0xA400] =	vst v63  }
0x29: {  	s0 =	simm.s32 $0x100  }
0x2a: {  	[spmem:s2] =	stream.indirect.scatter.add.f32 [tilespmem:s13], [sflag:$0x1], $0x20, s0, s14, $0xb8;
	[tilespmem:$0xA400] =	vst v63  }
0x2b: {  	s0 =	simm.s32 $0x180  }
0x2c: {  	[spmem:s2] =	stream.indirect.scatter.add.f32 [tilespmem:s13], [sflag:$0x1], $0x20, s0, s14, $0xb8;
	[tilespmem:$0xA400] =	vst v63  }
0x2d: {  	s0 =	simm.s32 $0x200  }
0x2e: {  	[spmem:s2] =	stream.indirect.scatter.add.f32 [tilespmem:s13], [sflag:$0x1], $0x20, s0, s14, $0xb8;
	[tilespmem:$0xA400] =	vst v63  }
0x2f: {  	s0 =	simm.s32 $0x280  }
0x30: {  	[spmem:s2] =	stream.indirect.scatter.add.f32 [tilespmem:s13], [sflag:$0x1], $0x20, s0, s14, $0xb8;
	[tilespmem:$0xA400] =	vst v63  }
0x31: {  	s0 =	simm.s32 $0x300  }
0x32: {  	[spmem:s2] =	stream.indirect.scatter.add.f32 [tilespmem:s13], [sflag:$0x1], $0x20, s0, s14, $0xb8;
	[tilespmem:$0xA400] =	vst v63  }
0x33: {  	s0 =	simm.s32 $0x380  }
0x34: {  	[spmem:s2] =	stream.indirect.scatter.add.f32 [tilespmem:s13], [sflag:$0x1], $0x20, s0, s14, $0xb8;
	[tilespmem:$0xA400] =	vst v63  }
0x35: {  	s0 =	simm.s32 $0x400  }
0x36: {  	[spmem:s2] =	stream.indirect.scatter.add.f32 [tilespmem:s13], [sflag:$0x1], $0x20, s0, s14, $0xb8;
	[tilespmem:$0xA400] =	vst v63  }
0x37: {  	s0 =	simm.s32 $0x480  }
0x38: {  	[spmem:s2] =	stream.indirect.scatter.add.f32 [tilespmem:s13], [sflag:$0x1], $0x20, s0, s14, $0xb8;
	[tilespmem:$0xA400] =	vst v63  }
0x39: {  	s0 =	simm.s32 $0x500  }
0x3a: {  	[spmem:s2] =	stream.indirect.scatter.add.f32 [tilespmem:s13], [sflag:$0x1], $0x20, s0, s14, $0xb8;
	[tilespmem:$0xA400] =	vst v63  }
0x3b: {  	s0 =	simm.s32 $0x580  }
0x3c: {  	[spmem:s2] =	stream.indirect.scatter.add.f32 [tilespmem:s13], [sflag:$0x1], $0x20, s0, s14, $0xb8;
	[tilespmem:$0xA400] =	vst v63  }
0x3d: {  	s0 =	simm.s32 $0x600  }
0x3e: {  	[spmem:s2] =	stream.indirect.scatter.add.f32 [tilespmem:s13], [sflag:$0x1], $0x20, s0, s14, $0xb8;
	[tilespmem:$0xA400] =	vst v63  }
0x3f: {  	s0 =	simm.s32 $0x680  }
0x40: {  	[spmem:s2] =	stream.indirect.scatter.add.f32 [tilespmem:s13], [sflag:$0x1], $0x20, s0, s14, $0xb8;
	[tilespmem:$0xA400] =	vst v63  }
0x41: {  	s0 =	simm.s32 $0x700  }
0x42: {  	[spmem:s2] =	stream.indirect.scatter.add.f32 [tilespmem:s13], [sflag:$0x1], $0x20, s0, s14, $0xb8;
	[tilespmem:$0xA400] =	vst v63  }
0x43: {  	s0 =	simm.s32 $0x780  }
0x44: {  	[spmem:s2] =	stream.indirect.scatter.add.f32 [tilespmem:s13], [sflag:$0x1], $0x20, s0, s14, $0xb8;
	[tilespmem:$0xA400] =	vst v63  }
0x45: {  	s0 =	simm.s32 $0x800  }
0x46: {  	[spmem:s2] =	stream.indirect.scatter.add.f32 [tilespmem:s13], [sflag:$0x1], $0x20, s0, s14, $0xb8;
	[tilespmem:$0xA400] =	vst v63  }
0x47: {  	s0 =	simm.s32 $0x880  }
0x48: {  	[spmem:s2] =	stream.indirect.scatter.add.f32 [tilespmem:s13], [sflag:$0x1], $0x20, s0, s14, $0xb8;
	[tilespmem:$0xA400] =	vst v63  }
0x49: {  	s0 =	simm.s32 $0x900  }
0x4a: {  	[spmem:s2] =	stream.indirect.scatter.add.f32 [tilespmem:s13], [sflag:$0x1], $0x20, s0, s14, $0xb8;
	[tilespmem:$0xA400] =	vst v63  }
0x4b: {  	_ = 	snop  }
0x4c: {  	[spmem:s2] =	stream.indirect.scatter.add.f32 [tilespmem:s13], [sflag:$0x1], $0x20, s4, s14, $0xb8;
	[tilespmem:$0xA400] =	vst v63  }
0x4d: {  	_ = 	snop  }
0x4e: {  	[spmem:s2] =	stream.indirect.scatter.add.f32 [tilespmem:s13], [sflag:$0x1], $0x20, s5, s14, $0xb8;
	[tilespmem:$0xA400] =	vst v63  }
0x4f: {  	_ = 	snop  }
0x50: {  	[spmem:s2] =	stream.indirect.scatter.add.f32 [tilespmem:s13], [sflag:$0x1], $0x20, s7, s14, $0xb8;
	[tilespmem:$0xA400] =	vst v63  }
0x51: {  	_ = 	snop  }
0x52: {  	[spmem:s2] =	stream.indirect.scatter.add.f32 [tilespmem:s13], [sflag:$0x1], $0x20, s8, s14, $0xb8;
	[tilespmem:$0xA400] =	vst v63  }
0x53: {  	_ = 	snop  }
0x54: {  	[spmem:s2] =	stream.indirect.scatter.add.f32 [tilespmem:s13], [sflag:$0x1], $0x20, s9, s14, $0xb8;
	[tilespmem:$0xA400] =	vst v63  }
0x55: {  	_ = 	snop  }
0x56: {  	[spmem:s2] =	stream.indirect.scatter.add.f32 [tilespmem:s13], [sflag:$0x1], $0x20, s10, s14, $0xb8;
	[tilespmem:$0xA400] =	vst v63  }
0x57: {  	_ = 	snop  }
0x58: {  	[spmem:s2] =	stream.indirect.scatter.add.f32 [tilespmem:s13], [sflag:$0x1], $0x20, s15, s14, $0xb8;
	[tilespmem:$0xA400] =	vst v63  }
0x59: {  	_ = 	snop  }
0x5a: {  	[spmem:s2] =	stream.indirect.scatter.add.f32 [tilespmem:s13], [sflag:$0x1], $0x20, s16, s14, $0xb8;
	[tilespmem:$0xA400] =	vst v63  }
0x5b: {  	_ = 	snop  }
0x5c: {  	[spmem:s2] =	stream.indirect.scatter.add.f32 [tilespmem:s13], [sflag:$0x1], $0x20, s17, s14, $0xb8;
	[tilespmem:$0xA400] =	vst v63  }
0x5d: {  	_ = 	snop  }
0x5e: {  	[spmem:s2] =	stream.indirect.scatter.add.f32 [tilespmem:s13], [sflag:$0x1], $0x20, s18, s14, $0xb8;
	[tilespmem:$0xA400] =	vst v63  }
0x5f: {  	_ = 	snop  }
0x60: {  	[spmem:s2] =	stream.indirect.scatter.add.f32 [tilespmem:s13], [sflag:$0x1], $0x20, s19, s14, $0xb8;
	[tilespmem:$0xA400] =	vst v63  }
0x61: {  	_ = 	snop  }
0x62: {  	[spmem:s2] =	stream.indirect.scatter.add.f32 [tilespmem:s13], [sflag:$0x1], $0x20, s20, s14, $0xb8;
	[tilespmem:$0xA400] =	vst v63  }
0x63: {  	_ = 	snop  }
0x64: {  	[spmem:s2] =	stream.indirect.scatter.add.f32 [tilespmem:s13], [sflag:$0x1], $0x20, s21, s14, $0xb8;
	[tilespmem:$0xA400] =	vst v63  }
0x65: {  	_ = 	snop  }
0x66: {  	[spmem:s2] =	stream.indirect.scatter.add.f32 [tilespmem:s13], [sflag:$0x1], $0x20, s22, s14, $0xb8;
	[tilespmem:$0xA400] =	vst v63  }
0x67: {  	_ = 	snop  }
0x68: {  	[spmem:s2] =	stream.indirect.scatter.add.f32 [tilespmem:s13], [sflag:$0x1], $0x20, s23, s14, $0xb8;
	[tilespmem:$0xA400] =	vst v63  }
0x69: {  	_ = 	snop  }
0x6a: {  	[spmem:s2] =	stream.indirect.scatter.add.f32 [tilespmem:s13], [sflag:$0x1], $0x20, s24, s14, $0xb8;
	[tilespmem:$0xA400] =	vst v63  }
0x6b: {  	_ = 	snop  }
0x6c: {  	[spmem:s2] =	stream.indirect.scatter.add.f32 [tilespmem:s13], [sflag:$0x1], $0x20, s25, s14, $0xb8;
	[tilespmem:$0xA400] =	vst v63  }
0x6d: {  	_ = 	snop  }
0x6e: {  	[spmem:s2] =	stream.indirect.scatter.add.f32 [tilespmem:s13], [sflag:$0x1], $0x20, s26, s14, $0xb8;
	[tilespmem:$0xA400] =	vst v63  }
0x6f: {  	_ = 	snop  }
0x70: {  	[spmem:s2] =	stream.indirect.scatter.add.f32 [tilespmem:s13], [sflag:$0x1], $0x20, s28, s14, $0xb8;
	[tilespmem:$0xA400] =	vst v63  }
0x71: {  	_ = 	snop  }
0x72: {  	[spmem:s2] =	stream.indirect.scatter.add.f32 [tilespmem:s13], [sflag:$0x1], $0x20, s29, s14, $0xb8;
	[tilespmem:$0xA400] =	vst v63  }
0x73: {  	_ = 	snop  }
0x74: {  	[spmem:s2] =	stream.indirect.scatter.add.f32 [tilespmem:s13], [sflag:$0x1], $0x20, s30, s14, $0xb8;
	[tilespmem:$0xA400] =	vst v63  }
0x75: {  	_ =	swait.ge [sflag:s31], $0xFA0  }
0x76: {  	s0 =	simm.s32 $0x27;
	[sflag:s31] =	ssyncset.done $0x0  }
.LBB2_2:
0x77: {  	p0 =	sne.s32 s0, $0x1;
	s0 =	sadd.s32 $0xFFFFFFFF, s0;
	[sflag:s31] =	ssyncadd.s32 $0xFFFFF060  }
.Ltmp0:
0x78: {  	(pc) =	sbr.rel @p0 .LBB2_2-.Ltmp0, $3  }
0x79: {  	_ =	sdelay $0x1  }
0x7a: {  	_ =	swait.ge [sflag:s31], $0xFA0  }
0x7b: {  	[sflag:s31] =	ssyncset.done $0x0  }
0x7c: {  	[sflag:s31] =	ssyncadd.s32 $0xFFFFF060;
	s0 =	rddreg [dreg:$0x8]  }
0x7d: {  	[tilespmem:s3], [sflag:$0x2] =	stream.linear.gather [hbm4b:s0+s3], $0x1400, $0x38;
	[tilespmem:$0xA400] =	vst v63  }
0x7e: {  	_ =	swait.ge [sflag:s12], $0x1400  }
0x7f: {  	[sflag:s12] =	ssyncset.done $0x0  }
0x80: {  	[sflag:s12] =	ssyncadd.s32 $0xFFFFEC00  }
0x81: {  	[spmem:s2] =	stream.indirect.scatter.add.f32 [tilespmem:s13], [sflag:$0x1], $0x20, s3, s14, $0xb8;
	[tilespmem:$0xA400] =	vst v63  }
0x82: {  	s0 =	simm.s32 $0x80  }
0x83: {  	[spmem:s2] =	stream.indirect.scatter.add.f32 [tilespmem:s13], [sflag:$0x1], $0x20, s0, s14, $0xb8;
	[tilespmem:$0xA400] =	vst v63  }
0x84: {  	s0 =	simm.s32 $0x100  }
0x85: {  	[spmem:s2] =	stream.indirect.scatter.add.f32 [tilespmem:s13], [sflag:$0x1], $0x20, s0, s14, $0xb8;
	[tilespmem:$0xA400] =	vst v63  }
0x86: {  	s0 =	simm.s32 $0x180  }
0x87: {  	[spmem:s2] =	stream.indirect.scatter.add.f32 [tilespmem:s13], [sflag:$0x1], $0x20, s0, s14, $0xb8;
	[tilespmem:$0xA400] =	vst v63  }
0x88: {  	s0 =	simm.s32 $0x200  }
0x89: {  	[spmem:s2] =	stream.indirect.scatter.add.f32 [tilespmem:s13], [sflag:$0x1], $0x20, s0, s14, $0xb8;
	[tilespmem:$0xA400] =	vst v63  }
0x8a: {  	s0 =	simm.s32 $0x280  }
0x8b: {  	[spmem:s2] =	stream.indirect.scatter.add.f32 [tilespmem:s13], [sflag:$0x1], $0x20, s0, s14, $0xb8;
	[tilespmem:$0xA400] =	vst v63  }
0x8c: {  	s0 =	simm.s32 $0x300  }
0x8d: {  	[spmem:s2] =	stream.indirect.scatter.add.f32 [tilespmem:s13], [sflag:$0x1], $0x20, s0, s14, $0xb8;
	[tilespmem:$0xA400] =	vst v63  }
0x8e: {  	s0 =	simm.s32 $0x380  }
0x8f: {  	[spmem:s2] =	stream.indirect.scatter.add.f32 [tilespmem:s13], [sflag:$0x1], $0x20, s0, s14, $0xb8;
	[tilespmem:$0xA400] =	vst v63  }
0x90: {  	s0 =	simm.s32 $0x400  }
0x91: {  	[spmem:s2] =	stream.indirect.scatter.add.f32 [tilespmem:s13], [sflag:$0x1], $0x20, s0, s14, $0xb8;
	[tilespmem:$0xA400] =	vst v63  }
0x92: {  	s0 =	simm.s32 $0x480  }
0x93: {  	[spmem:s2] =	stream.indirect.scatter.add.f32 [tilespmem:s13], [sflag:$0x1], $0x20, s0, s14, $0xb8;
	[tilespmem:$0xA400] =	vst v63  }
0x94: {  	s0 =	simm.s32 $0x500  }
0x95: {  	[spmem:s2] =	stream.indirect.scatter.add.f32 [tilespmem:s13], [sflag:$0x1], $0x20, s0, s14, $0xb8;
	[tilespmem:$0xA400] =	vst v63  }
0x96: {  	s0 =	simm.s32 $0x580  }
0x97: {  	[spmem:s2] =	stream.indirect.scatter.add.f32 [tilespmem:s13], [sflag:$0x1], $0x20, s0, s14, $0xb8;
	[tilespmem:$0xA400] =	vst v63  }
0x98: {  	s0 =	simm.s32 $0x600  }
0x99: {  	[spmem:s2] =	stream.indirect.scatter.add.f32 [tilespmem:s13], [sflag:$0x1], $0x20, s0, s14, $0xb8;
	[tilespmem:$0xA400] =	vst v63  }
0x9a: {  	s0 =	simm.s32 $0x680  }
0x9b: {  	[spmem:s2] =	stream.indirect.scatter.add.f32 [tilespmem:s13], [sflag:$0x1], $0x20, s0, s14, $0xb8;
	[tilespmem:$0xA400] =	vst v63  }
0x9c: {  	s0 =	simm.s32 $0x700  }
0x9d: {  	[spmem:s2] =	stream.indirect.scatter.add.f32 [tilespmem:s13], [sflag:$0x1], $0x20, s0, s14, $0xb8;
	[tilespmem:$0xA400] =	vst v63  }
0x9e: {  	s0 =	simm.s32 $0x780  }
0x9f: {  	[spmem:s2] =	stream.indirect.scatter.add.f32 [tilespmem:s13], [sflag:$0x1], $0x20, s0, s14, $0xb8;
	[tilespmem:$0xA400] =	vst v63  }
0xa0: {  	s0 =	simm.s32 $0x800  }
0xa1: {  	[spmem:s2] =	stream.indirect.scatter.add.f32 [tilespmem:s13], [sflag:$0x1], $0x20, s0, s14, $0xb8;
	[tilespmem:$0xA400] =	vst v63  }
0xa2: {  	s0 =	simm.s32 $0x880  }
0xa3: {  	[spmem:s2] =	stream.indirect.scatter.add.f32 [tilespmem:s13], [sflag:$0x1], $0x20, s0, s14, $0xb8;
	[tilespmem:$0xA400] =	vst v63  }
0xa4: {  	s0 =	simm.s32 $0x900  }
0xa5: {  	[spmem:s2] =	stream.indirect.scatter.add.f32 [tilespmem:s13], [sflag:$0x1], $0x20, s0, s14, $0xb8;
	[tilespmem:$0xA400] =	vst v63  }
0xa6: {  	_ = 	snop  }
0xa7: {  	[spmem:s2] =	stream.indirect.scatter.add.f32 [tilespmem:s13], [sflag:$0x1], $0x20, s4, s14, $0xb8;
	[tilespmem:$0xA400] =	vst v63  }
0xa8: {  	_ = 	snop  }
0xa9: {  	[spmem:s2] =	stream.indirect.scatter.add.f32 [tilespmem:s13], [sflag:$0x1], $0x20, s5, s14, $0xb8;
	[tilespmem:$0xA400] =	vst v63  }
0xaa: {  	_ = 	snop  }
0xab: {  	[spmem:s2] =	stream.indirect.scatter.add.f32 [tilespmem:s13], [sflag:$0x1], $0x20, s7, s14, $0xb8;
	[tilespmem:$0xA400] =	vst v63  }
0xac: {  	_ = 	snop  }
0xad: {  	[spmem:s2] =	stream.indirect.scatter.add.f32 [tilespmem:s13], [sflag:$0x1], $0x20, s8, s14, $0xb8;
	[tilespmem:$0xA400] =	vst v63  }
0xae: {  	_ = 	snop  }
0xaf: {  	[spmem:s2] =	stream.indirect.scatter.add.f32 [tilespmem:s13], [sflag:$0x1], $0x20, s9, s14, $0xb8;
	[tilespmem:$0xA400] =	vst v63  }
0xb0: {  	_ = 	snop  }
0xb1: {  	[spmem:s2] =	stream.indirect.scatter.add.f32 [tilespmem:s13], [sflag:$0x1], $0x20, s10, s14, $0xb8;
	[tilespmem:$0xA400] =	vst v63  }
0xb2: {  	_ = 	snop  }
0xb3: {  	[spmem:s2] =	stream.indirect.scatter.add.f32 [tilespmem:s13], [sflag:$0x1], $0x20, s15, s14, $0xb8;
	[tilespmem:$0xA400] =	vst v63  }
0xb4: {  	_ = 	snop  }
0xb5: {  	[spmem:s2] =	stream.indirect.scatter.add.f32 [tilespmem:s13], [sflag:$0x1], $0x20, s16, s14, $0xb8;
	[tilespmem:$0xA400] =	vst v63  }
0xb6: {  	_ = 	snop  }
0xb7: {  	[spmem:s2] =	stream.indirect.scatter.add.f32 [tilespmem:s13], [sflag:$0x1], $0x20, s17, s14, $0xb8;
	[tilespmem:$0xA400] =	vst v63  }
0xb8: {  	_ = 	snop  }
0xb9: {  	[spmem:s2] =	stream.indirect.scatter.add.f32 [tilespmem:s13], [sflag:$0x1], $0x20, s18, s14, $0xb8;
	[tilespmem:$0xA400] =	vst v63  }
0xba: {  	_ = 	snop  }
0xbb: {  	[spmem:s2] =	stream.indirect.scatter.add.f32 [tilespmem:s13], [sflag:$0x1], $0x20, s19, s14, $0xb8;
	[tilespmem:$0xA400] =	vst v63  }
0xbc: {  	_ = 	snop  }
0xbd: {  	[spmem:s2] =	stream.indirect.scatter.add.f32 [tilespmem:s13], [sflag:$0x1], $0x20, s20, s14, $0xb8;
	[tilespmem:$0xA400] =	vst v63  }
0xbe: {  	_ = 	snop  }
0xbf: {  	[spmem:s2] =	stream.indirect.scatter.add.f32 [tilespmem:s13], [sflag:$0x1], $0x20, s21, s14, $0xb8;
	[tilespmem:$0xA400] =	vst v63  }
0xc0: {  	_ = 	snop  }
0xc1: {  	[spmem:s2] =	stream.indirect.scatter.add.f32 [tilespmem:s13], [sflag:$0x1], $0x20, s22, s14, $0xb8;
	[tilespmem:$0xA400] =	vst v63  }
0xc2: {  	_ = 	snop  }
0xc3: {  	[spmem:s2] =	stream.indirect.scatter.add.f32 [tilespmem:s13], [sflag:$0x1], $0x20, s23, s14, $0xb8;
	[tilespmem:$0xA400] =	vst v63  }
0xc4: {  	_ = 	snop  }
0xc5: {  	[spmem:s2] =	stream.indirect.scatter.add.f32 [tilespmem:s13], [sflag:$0x1], $0x20, s24, s14, $0xb8;
	[tilespmem:$0xA400] =	vst v63  }
0xc6: {  	_ = 	snop  }
0xc7: {  	[spmem:s2] =	stream.indirect.scatter.add.f32 [tilespmem:s13], [sflag:$0x1], $0x20, s25, s14, $0xb8;
	[tilespmem:$0xA400] =	vst v63  }
0xc8: {  	_ = 	snop  }
0xc9: {  	[spmem:s2] =	stream.indirect.scatter.add.f32 [tilespmem:s13], [sflag:$0x1], $0x20, s26, s14, $0xb8;
	[tilespmem:$0xA400] =	vst v63  }
0xca: {  	_ = 	snop  }
0xcb: {  	[spmem:s2] =	stream.indirect.scatter.add.f32 [tilespmem:s13], [sflag:$0x1], $0x20, s28, s14, $0xb8;
	[tilespmem:$0xA400] =	vst v63  }
0xcc: {  	_ = 	snop  }
0xcd: {  	[spmem:s2] =	stream.indirect.scatter.add.f32 [tilespmem:s13], [sflag:$0x1], $0x20, s29, s14, $0xb8;
	[tilespmem:$0xA400] =	vst v63  }
0xce: {  	_ = 	snop  }
0xcf: {  	[spmem:s2] =	stream.indirect.scatter.add.f32 [tilespmem:s13], [sflag:$0x1], $0x20, s30, s14, $0xb8;
	[tilespmem:$0xA400] =	vst v63  }
0xd0: {  	_ =	swait.ge [sflag:s31], $0xFA0  }
0xd1: {  	s0 =	simm.s32 $0x27;
	[sflag:s31] =	ssyncset.done $0x0  }
.LBB2_4:
0xd2: {  	p0 =	sne.s32 s0, $0x1;
	s0 =	sadd.s32 $0xFFFFFFFF, s0;
	[sflag:s31] =	ssyncadd.s32 $0xFFFFF060  }
.Ltmp1:
0xd3: {  	(pc) =	sbr.rel @p0 .LBB2_4-.Ltmp1, $3  }
0xd4: {  	_ =	sdelay $0x1  }
0xd5: {  	_ =	swait.ge [sflag:s31], $0xFA0  }
0xd6: {  	[sflag:s31] =	ssyncset.done $0x0  }
0xd7: {  	[sflag:s31] =	ssyncadd.s32 $0xFFFFF060  }
0xd8: {  	[bflag:$0x0] =	sbarrier.arrive $0xFFFF  }
0xd9: {  	s0 =	rddreg [dreg:$0x5]  }
0xda: {  	[hbm:s0], [sflag:s6] =	dma.local [spmem:s11], $0x2800  }
0xdb: {  	_ =	swait.ge [sflag:s12], $0x2800  }
0xdc: {  	s1 =	sadd.s32 $0x1, s1;
	s0 =	rddreg [dreg:$0x6]  }
0xdd: {  	p0 =	sne.s32 s1, s0  }
.Ltmp2:
0xde: {  	_ = 	snop;
	(pc) =	sbr.rel @p0 .LBB2_1-.Ltmp2, $3  }
0xdf: {  	_ =	sdelay $0x1  }
0xe0: {  	[sflag:s12] =	ssyncset.done $0x0  }
0xe1: {  	[sflag:s12] =	ssyncadd.s32 $0xFFFFD800  }
0xe2: {  	_ =	sfence.sel $0x180000  }
0xe3: {  	[bflag:$0x0] =	sbarrier.arrive $0xFFFF  }
0xe4: {  	_ =	strace $0x90000047  }
0xe5: {  	s0 =	stileid.u32;
	[bflag:$0x2] =	sbarrier.arrive $0xFFFF  }
0xe6: {  	p0 =	sne.s32 s0, $0x0;
	s0 =	rddreg [dreg:$0x2]  }
0xe7: {  	s0 =	sadd.s32 @!p0 $0x100000, s0  }
0xe8: {  	[sflag:s0] =	ssyncadd.tile.s32 @!p0 $0x1;
	_ =	shalt  }
.Lfunc_end2:
_tile_overlayer_lowered:
.L_overlay_start_2:
0xe9: {  	(tag) =	ssettag $0x2  }
0xea: {  	s0 =	rddreg [dreg:$0x0];
	s2 =	stileid.u32  }
0xeb: {  	s1 =	rddreg [dreg:$0x1];
	p0 =	sne.s32 s2, $0x0  }
0xec: {  	s3 =	rddreg [dreg:$0x2];
	[bflag:$0x3] =	sbarrier.arrive $0xFFFF;
	s2 =	simm.s32 @!p0 $0x1C02  }
0xed: {  	[timem:s3], [sflag:s2] =	dma.local @!p0 [hbm:s0], s1  }
0xee: {  	s0 =	simm.s32 @!p0 $0x2  }
0xef: {  	_ =	swait.ge @!p0 [sflag:s0], s1  }
0xf0: {  	s1 =	ssub.s32 @!p0 $0x0, s1;
	[sflag:s0] =	ssyncset.done @!p0 $0x0  }
0xf1: {  	[sflag:s0] =	ssyncadd.s32 @!p0 s1  }
0xf2: {  	[bflag:$0x3] =	sbarrier.arrive $0xFFFF  }
0xf3: {  	_ =	shalt  }

</sc_bundles>
